<compile_context>
chip_gen: v7x
topology: tpu7x:2x2x1
jax: 0.10.2.dev20260603
libtpu: 0.0.44.dev20260713+nightly
codegen_flags: <defaults>
</compile_context>

<pallas_src>
import functools

import jax
import jax.numpy as jnp
from jax import lax
from jax.experimental import pallas as pl
from jax.experimental.pallas import tpu as pltpu
from jax.experimental.pallas import tpu_sc as plsc

HIDDEN = 2048
NUM_EXPERTS = 16
TOP_K = 2
TOKENS = 16384
EPS = 1e-05
BLOCK = 512
CAST_BLOCK = 256
NEG = -3.0e38
GRID = TOKENS // BLOCK
CHUNKS = BLOCK // 16


def _cast_kernel(wtp_ref, out_ref):
    out_ref[...] = wtp_ref[...].astype(jnp.bfloat16)


def _logits_kernel(x_ref, t_ref, wtpb_ref, b_ref, wg_ref, o_ref):
    tcb = t_ref[...].astype(jnp.bfloat16)
    mm = lax.dot_general(tcb, wtpb_ref[...], (((1,), (1,)), ((), ())),
                         preferred_element_type=jnp.float32)
    xp = x_ref[...] + mm + b_ref[...]
    logits = lax.dot_general(
        wg_ref[...].astype(jnp.bfloat16), xp.astype(jnp.bfloat16),
        (((1,), (1,)), ((), ())), preferred_element_type=jnp.float32)
    o_ref[...] = logits.reshape(1, NUM_EXPERTS, BLOCK)


def _routing_body(lg_hbm, p1_hbm, p2_hbm, i1_hbm, i2_hbm,
                  lg_v, p1_v, p2_v, i1_v, i2_v):
    wid = lax.axis_index("s") * 2 + lax.axis_index("c")
    pltpu.sync_copy(lg_hbm.at[wid], lg_v)

    def chunk(c, carry):
        sl = pl.ds(c * 16, 16)
        ls = [lg_v[e, sl] for e in range(NUM_EXPERTS)]
        big = jnp.full((16,), NUM_EXPERTS, jnp.int32)
        neg = jnp.full((16,), NEG, jnp.float32)

        m1 = ls[0]
        for e in range(1, NUM_EXPERTS):
            m1 = jnp.maximum(m1, ls[e])
        i1 = big
        for e in range(NUM_EXPERTS):
            i1 = jnp.minimum(
                i1, jnp.where(ls[e] == m1, jnp.full((16,), e, jnp.int32),
                              big))
        l2s = [jnp.where(i1 == e, neg, ls[e]) for e in range(NUM_EXPERTS)]
        m2 = l2s[0]
        for e in range(1, NUM_EXPERTS):
            m2 = jnp.maximum(m2, l2s[e])
        i2 = big
        for e in range(NUM_EXPERTS):
            i2 = jnp.minimum(
                i2, jnp.where(l2s[e] == m2, jnp.full((16,), e, jnp.int32),
                              big))
        z = jnp.exp(ls[0] - m1)
        for e in range(1, NUM_EXPERTS):
            z = z + jnp.exp(ls[e] - m1)
        p1 = 1.0 / z
        p2 = jnp.exp(m2 - m1) / z
        s = p1 + p2 + EPS
        p1_v[sl] = p1 / s
        p2_v[sl] = p2 / s
        i1_v[sl] = i1
        i2_v[sl] = i2
        return carry

    lax.fori_loop(0, CHUNKS, chunk, 0)

    base = wid * BLOCK
    pltpu.sync_copy(p1_v, p1_hbm.at[pl.ds(base, BLOCK)])
    pltpu.sync_copy(p2_v, p2_hbm.at[pl.ds(base, BLOCK)])
    pltpu.sync_copy(i1_v, i1_hbm.at[pl.ds(base, BLOCK)])
    pltpu.sync_copy(i2_v, i2_hbm.at[pl.ds(base, BLOCK)])


def kernel(x, temporal_context, W_tp, b_tp, W_gate):
    wtpb = pl.pallas_call(
        _cast_kernel,
        grid=(HIDDEN // CAST_BLOCK,),
        in_specs=[pl.BlockSpec((CAST_BLOCK, HIDDEN), lambda i: (i, 0))],
        out_specs=pl.BlockSpec((CAST_BLOCK, HIDDEN), lambda i: (i, 0)),
        out_shape=jax.ShapeDtypeStruct((HIDDEN, HIDDEN), jnp.bfloat16),
    )(W_tp)

    logits3d = pl.pallas_call(
        _logits_kernel,
        grid=(GRID,),
        in_specs=[
            pl.BlockSpec((BLOCK, HIDDEN), lambda i: (i, 0)),
            pl.BlockSpec((BLOCK, HIDDEN), lambda i: (i, 0)),
            pl.BlockSpec((HIDDEN, HIDDEN), lambda i: (0, 0)),
            pl.BlockSpec((1, HIDDEN), lambda i: (0, 0)),
            pl.BlockSpec((NUM_EXPERTS, HIDDEN), lambda i: (0, 0)),
        ],
        out_specs=pl.BlockSpec((1, NUM_EXPERTS, BLOCK), lambda i: (i, 0, 0)),
        out_shape=jax.ShapeDtypeStruct((GRID, NUM_EXPERTS, BLOCK),
                                       jnp.float32),
    )(x, temporal_context, wtpb, b_tp.reshape(1, HIDDEN), W_gate)

    routing = functools.partial(
        pl.kernel,
        out_type=[
            jax.ShapeDtypeStruct((TOKENS,), jnp.float32),
            jax.ShapeDtypeStruct((TOKENS,), jnp.float32),
            jax.ShapeDtypeStruct((TOKENS,), jnp.int32),
            jax.ShapeDtypeStruct((TOKENS,), jnp.int32),
        ],
        mesh=plsc.VectorSubcoreMesh(core_axis_name="c", subcore_axis_name="s"),
        scratch_types=[
            pltpu.VMEM((NUM_EXPERTS, BLOCK), jnp.float32),
            pltpu.VMEM((BLOCK,), jnp.float32),
            pltpu.VMEM((BLOCK,), jnp.float32),
            pltpu.VMEM((BLOCK,), jnp.int32),
            pltpu.VMEM((BLOCK,), jnp.int32),
        ],
    )(_routing_body)
    p1, p2, i1, i2 = routing(logits3d)

    probs = jnp.stack([p1, p2], axis=1)
    idx = jnp.stack([i1, i2], axis=1)
    return probs, idx

# --- scband reference (transcript-rebuilt; emitter-appended) ---
"""Pipeline reference for scband-temporal-expert-router-4234837754556 (READ-ONLY COPY).

The authoritative reference and input builder live on the scoring server;
editing this copy changes nothing except your own understanding.
"""

import jax, jax.numpy as jnp
import numpy as np

EPS = 1e-05
HIDDEN = 2048
NUM_EXPERTS = 16
TOP_K = 2
TOKENS = 16384


def setup_inputs(seed: int = 0) -> dict:
    key = jax.random.key(seed)
    k1, k2, k3, k4, k5 = jax.random.split(key, 5)
    x = jax.random.normal(k1, (TOKENS, HIDDEN), dtype=jnp.float32)
    temporal_context = jax.random.normal(k2, (TOKENS, HIDDEN), dtype=jnp.float32)
    # temporal_proj: Linear(hidden, hidden) default init ~ U(-1/sqrt(fan_in), 1/sqrt(fan_in))
    bound = 1.0 / np.sqrt(HIDDEN)
    W_tp = jax.random.uniform(k3, (HIDDEN, HIDDEN), dtype=jnp.float32, minval=-bound, maxval=bound)
    b_tp = jax.random.uniform(k4, (HIDDEN,), dtype=jnp.float32, minval=-bound, maxval=bound)
    # gate: Linear(hidden, num_experts, bias=False), init normal std=0.01
    W_gate = jax.random.normal(k5, (NUM_EXPERTS, HIDDEN), dtype=jnp.float32) * 0.01
    return {"x": x, "temporal_context": temporal_context, "W_tp": W_tp, "b_tp": b_tp, "W_gate": W_gate}


def reference(x, temporal_context, W_tp, b_tp, W_gate):
    # x = x + temporal_proj(temporal_context)
    x = x + temporal_context @ W_tp.T + b_tp
    router_logits = x @ W_gate.T
    router_probs = jax.nn.softmax(router_logits.astype(x.dtype), axis=-1)
    top_k_probs, top_k_indices = jax.lax.top_k(router_probs, TOP_K)
    top_k_probs = top_k_probs / (jnp.sum(top_k_probs, axis=-1, keepdims=True) + EPS)
    return (top_k_probs, top_k_indices)

if __name__ == "__main__":
    import jax
    _d = setup_inputs()
    print(jax.jit(kernel)(*tuple(_d.values())))

</pallas_src>

<mosaic_0001>
#map = affine_map<(d0, d1) -> (0, 0, 0)>
#map1 = affine_map<(d0, d1) -> (0)>
module attributes {stable_mosaic.version = 14 : i64} {
  func.func @_routing_body(%arg0: i32, %arg1: i32, %arg2: memref<32x16x512xf32, #tpu.memory_space<hbm>>, %arg3: memref<16384xf32, #tpu.memory_space<hbm>>, %arg4: memref<16384xf32, #tpu.memory_space<hbm>>, %arg5: memref<16384xi32, #tpu.memory_space<hbm>>, %arg6: memref<16384xi32, #tpu.memory_space<hbm>>, %arg7: memref<16x512xf32, #tpu.memory_space<vmem>>, %arg8: memref<512xf32, #tpu.memory_space<vmem>>, %arg9: memref<512xf32, #tpu.memory_space<vmem>>, %arg10: memref<512xi32, #tpu.memory_space<vmem>>, %arg11: memref<512xi32, #tpu.memory_space<vmem>>) attributes {dimension_semantics = [#tpu.dimension_semantics<core_parallel>, #tpu.dimension_semantics<subcore_parallel>], iteration_bounds = array<i64: 2, 16>, scalar_prefetch = 0 : i64, scratch_operands = 5 : i64, tpu.core_type = #tpu.core_type<sc_vector_subcore>, window_params = [{transform_indices = #map}, {transform_indices = #map1}, {transform_indices = #map1}, {transform_indices = #map1}, {transform_indices = #map1}]} {
    %mul3A = arith.constant 2 : i32
    %mul3A_0 = arith.muli %arg1, %mul3A : i32
    %add3A = arith.addi %mul3A_0, %arg0 : i32
    "tpu.region"() ({
      %run_scoped3A = tpu.sem_alloc : memref<!tpu.dma_semaphore, #tpu.memory_space<semaphore_mem>>
      %dma_start3A = arith.constant 0 : i32
      %dma_start3A_8 = arith.constant 0 : i32
      %dma_start3A_9 = tpu.memref_slice %arg2[%add3A, %dma_start3A, %dma_start3A_8] : memref<32x16x512xf32, #tpu.memory_space<hbm>> -> memref<1x16x512xf32, #tpu.memory_space<hbm>>
      %dma_start3A_10 = tpu.memref_squeeze %dma_start3A_9 : memref<1x16x512xf32, #tpu.memory_space<hbm>> -> memref<16x512xf32, #tpu.memory_space<hbm>>
      %dma_start3A_11 = arith.constant 0 : i32
      %dma_start3A_12 = arith.constant 0 : i32
      %dma_start3A_13 = tpu.memref_slice %arg2[%add3A, %dma_start3A_11, %dma_start3A_12] : memref<32x16x512xf32, #tpu.memory_space<hbm>> -> memref<1x16x512xf32, #tpu.memory_space<hbm>>
      %dma_start3A_14 = tpu.memref_squeeze %dma_start3A_13 : memref<1x16x512xf32, #tpu.memory_space<hbm>> -> memref<16x512xf32, #tpu.memory_space<hbm>>
      tpu.enqueue_dma source(%dma_start3A_14 : memref<16x512xf32, #tpu.memory_space<hbm>>) target(%arg7 : memref<16x512xf32, #tpu.memory_space<vmem>>) target_semaphore(%run_scoped3A : memref<!tpu.dma_semaphore, #tpu.memory_space<semaphore_mem>>)
      %dma_wait3A = arith.constant 0 : i32
      %dma_wait3A_15 = arith.constant 0 : i32
      %dma_wait3A_16 = tpu.memref_slice %arg2[%add3A, %dma_wait3A, %dma_wait3A_15] : memref<32x16x512xf32, #tpu.memory_space<hbm>> -> memref<1x16x512xf32, #tpu.memory_space<hbm>>
      %dma_wait3A_17 = tpu.memref_squeeze %dma_wait3A_16 : memref<1x16x512xf32, #tpu.memory_space<hbm>> -> memref<16x512xf32, #tpu.memory_space<hbm>>
      %dma_wait3A_18 = arith.constant 0 : i32
      %dma_wait3A_19 = arith.constant 0 : i32
      %dma_wait3A_20 = tpu.memref_slice %arg2[%add3A, %dma_wait3A_18, %dma_wait3A_19] : memref<32x16x512xf32, #tpu.memory_space<hbm>> -> memref<1x16x512xf32, #tpu.memory_space<hbm>>
      %dma_wait3A_21 = tpu.memref_squeeze %dma_wait3A_20 : memref<1x16x512xf32, #tpu.memory_space<hbm>> -> memref<16x512xf32, #tpu.memory_space<hbm>>
      tpu.wait_dma2 semaphore(%run_scoped3A : memref<!tpu.dma_semaphore, #tpu.memory_space<semaphore_mem>>) src(%dma_wait3A_21 : memref<16x512xf32, #tpu.memory_space<hbm>>) dst(%arg7 : memref<16x512xf32, #tpu.memory_space<vmem>>)
      tpu.yield
    }) : () -> ()
    %scan3A = arith.constant 0 : i32
    %scan3A_1 = arith.constant 0 : i32
    %scan3A_2 = arith.constant 32 : i32
    %scan3A_3 = arith.addi %scan3A_1, %scan3A_2 : i32
    %scan3A_4 = arith.constant 1 : i32
    scf.for %scan3A_8 = %scan3A_1 to %scan3A_3 step %scan3A_4  : i32 {
      %mul3A_9 = arith.constant 16 : i32
      %mul3A_10 = arith.muli %scan3A_8, %mul3A_9 : i32
      %get3A = arith.constant 0 : i32
      %get3A_11 = arith.index_cast %get3A : i32 to index
      %get3A_12 = arith.index_cast %mul3A_10 : i32 to index
      %get3A_13 = tpu.vector_load %arg7[%get3A_11, %get3A_12] {strides = array<i32>} : memref<16x512xf32, #tpu.memory_space<vmem>>, vector<1x16xf32>,
      %get3A_14 = vector.shape_cast %get3A_13 : vector<1x16xf32> to vector<16xf32>
      %get3A_15 = arith.constant 1 : i32
      %get3A_16 = arith.index_cast %get3A_15 : i32 to index
      %get3A_17 = arith.index_cast %mul3A_10 : i32 to index
      %get3A_18 = tpu.vector_load %arg7[%get3A_16, %get3A_17] {strides = array<i32>} : memref<16x512xf32, #tpu.memory_space<vmem>>, vector<1x16xf32>,
      %get3A_19 = vector.shape_cast %get3A_18 : vector<1x16xf32> to vector<16xf32>
      %get3A_20 = arith.constant 2 : i32
      %get3A_21 = arith.index_cast %get3A_20 : i32 to index
      %get3A_22 = arith.index_cast %mul3A_10 : i32 to index
      %get3A_23 = tpu.vector_load %arg7[%get3A_21, %get3A_22] {strides = array<i32>} : memref<16x512xf32, #tpu.memory_space<vmem>>, vector<1x16xf32>,
      %get3A_24 = vector.shape_cast %get3A_23 : vector<1x16xf32> to vector<16xf32>
      %get3A_25 = arith.constant 3 : i32
      %get3A_26 = arith.index_cast %get3A_25 : i32 to index
      %get3A_27 = arith.index_cast %mul3A_10 : i32 to index
      %get3A_28 = tpu.vector_load %arg7[%get3A_26, %get3A_27] {strides = array<i32>} : memref<16x512xf32, #tpu.memory_space<vmem>>, vector<1x16xf32>,
      %get3A_29 = vector.shape_cast %get3A_28 : vector<1x16xf32> to vector<16xf32>
      %get3A_30 = arith.constant 4 : i32
      %get3A_31 = arith.index_cast %get3A_30 : i32 to index
      %get3A_32 = arith.index_cast %mul3A_10 : i32 to index
      %get3A_33 = tpu.vector_load %arg7[%get3A_31, %get3A_32] {strides = array<i32>} : memref<16x512xf32, #tpu.memory_space<vmem>>, vector<1x16xf32>,
      %get3A_34 = vector.shape_cast %get3A_33 : vector<1x16xf32> to vector<16xf32>
      %get3A_35 = arith.constant 5 : i32
      %get3A_36 = arith.index_cast %get3A_35 : i32 to index
      %get3A_37 = arith.index_cast %mul3A_10 : i32 to index
      %get3A_38 = tpu.vector_load %arg7[%get3A_36, %get3A_37] {strides = array<i32>} : memref<16x512xf32, #tpu.memory_space<vmem>>, vector<1x16xf32>,
      %get3A_39 = vector.shape_cast %get3A_38 : vector<1x16xf32> to vector<16xf32>
      %get3A_40 = arith.constant 6 : i32
      %get3A_41 = arith.index_cast %get3A_40 : i32 to index
      %get3A_42 = arith.index_cast %mul3A_10 : i32 to index
      %get3A_43 = tpu.vector_load %arg7[%get3A_41, %get3A_42] {strides = array<i32>} : memref<16x512xf32, #tpu.memory_space<vmem>>, vector<1x16xf32>,
      %get3A_44 = vector.shape_cast %get3A_43 : vector<1x16xf32> to vector<16xf32>
      %get3A_45 = arith.constant 7 : i32
      %get3A_46 = arith.index_cast %get3A_45 : i32 to index
      %get3A_47 = arith.index_cast %mul3A_10 : i32 to index
      %get3A_48 = tpu.vector_load %arg7[%get3A_46, %get3A_47] {strides = array<i32>} : memref<16x512xf32, #tpu.memory_space<vmem>>, vector<1x16xf32>,
      %get3A_49 = vector.shape_cast %get3A_48 : vector<1x16xf32> to vector<16xf32>
      %get3A_50 = arith.constant 8 : i32
      %get3A_51 = arith.index_cast %get3A_50 : i32 to index
      %get3A_52 = arith.index_cast %mul3A_10 : i32 to index
      %get3A_53 = tpu.vector_load %arg7[%get3A_51, %get3A_52] {strides = array<i32>} : memref<16x512xf32, #tpu.memory_space<vmem>>, vector<1x16xf32>,
      %get3A_54 = vector.shape_cast %get3A_53 : vector<1x16xf32> to vector<16xf32>
      %get3A_55 = arith.constant 9 : i32
      %get3A_56 = arith.index_cast %get3A_55 : i32 to index
      %get3A_57 = arith.index_cast %mul3A_10 : i32 to index
      %get3A_58 = tpu.vector_load %arg7[%get3A_56, %get3A_57] {strides = array<i32>} : memref<16x512xf32, #tpu.memory_space<vmem>>, vector<1x16xf32>,
      %get3A_59 = vector.shape_cast %get3A_58 : vector<1x16xf32> to vector<16xf32>
      %get3A_60 = arith.constant 10 : i32
      %get3A_61 = arith.index_cast %get3A_60 : i32 to index
      %get3A_62 = arith.index_cast %mul3A_10 : i32 to index
      %get3A_63 = tpu.vector_load %arg7[%get3A_61, %get3A_62] {strides = array<i32>} : memref<16x512xf32, #tpu.memory_space<vmem>>, vector<1x16xf32>,
      %get3A_64 = vector.shape_cast %get3A_63 : vector<1x16xf32> to vector<16xf32>
      %get3A_65 = arith.constant 11 : i32
      %get3A_66 = arith.index_cast %get3A_65 : i32 to index
      %get3A_67 = arith.index_cast %mul3A_10 : i32 to index
      %get3A_68 = tpu.vector_load %arg7[%get3A_66, %get3A_67] {strides = array<i32>} : memref<16x512xf32, #tpu.memory_space<vmem>>, vector<1x16xf32>,
      %get3A_69 = vector.shape_cast %get3A_68 : vector<1x16xf32> to vector<16xf32>
      %get3A_70 = arith.constant 12 : i32
      %get3A_71 = arith.index_cast %get3A_70 : i32 to index
      %get3A_72 = arith.index_cast %mul3A_10 : i32 to index
      %get3A_73 = tpu.vector_load %arg7[%get3A_71, %get3A_72] {strides = array<i32>} : memref<16x512xf32, #tpu.memory_space<vmem>>, vector<1x16xf32>,
      %get3A_74 = vector.shape_cast %get3A_73 : vector<1x16xf32> to vector<16xf32>
      %get3A_75 = arith.constant 13 : i32
      %get3A_76 = arith.index_cast %get3A_75 : i32 to index
      %get3A_77 = arith.index_cast %mul3A_10 : i32 to index
      %get3A_78 = tpu.vector_load %arg7[%get3A_76, %get3A_77] {strides = array<i32>} : memref<16x512xf32, #tpu.memory_space<vmem>>, vector<1x16xf32>,
      %get3A_79 = vector.shape_cast %get3A_78 : vector<1x16xf32> to vector<16xf32>
      %get3A_80 = arith.constant 14 : i32
      %get3A_81 = arith.index_cast %get3A_80 : i32 to index
      %get3A_82 = arith.index_cast %mul3A_10 : i32 to index
      %get3A_83 = tpu.vector_load %arg7[%get3A_81, %get3A_82] {strides = array<i32>} : memref<16x512xf32, #tpu.memory_space<vmem>>, vector<1x16xf32>,
      %get3A_84 = vector.shape_cast %get3A_83 : vector<1x16xf32> to vector<16xf32>
      %get3A_85 = arith.constant 15 : i32
      %get3A_86 = arith.index_cast %get3A_85 : i32 to index
      %get3A_87 = arith.index_cast %mul3A_10 : i32 to index
      %get3A_88 = tpu.vector_load %arg7[%get3A_86, %get3A_87] {strides = array<i32>} : memref<16x512xf32, #tpu.memory_space<vmem>>, vector<1x16xf32>,
      %get3A_89 = vector.shape_cast %get3A_88 : vector<1x16xf32> to vector<16xf32>
      %broadcast_in_dim3A = arith.constant 16 : i32
      %broadcast_in_dim3A_90 = vector.broadcast %broadcast_in_dim3A : i32 to vector<16xi32>
      %broadcast_in_dim3A_91 = arith.constant -3.000000e+38 : f32
      %broadcast_in_dim3A_92 = vector.broadcast %broadcast_in_dim3A_91 : f32 to vector<16xf32>
      %max3A = arith.maximumf %get3A_14, %get3A_19 : vector<16xf32>
      %max3A_93 = arith.maximumf %max3A, %get3A_24 : vector<16xf32>
      %max3A_94 = arith.maximumf %max3A_93, %get3A_29 : vector<16xf32>
      %max3A_95 = arith.maximumf %max3A_94, %get3A_34 : vector<16xf32>
      %max3A_96 = arith.maximumf %max3A_95, %get3A_39 : vector<16xf32>
      %max3A_97 = arith.maximumf %max3A_96, %get3A_44 : vector<16xf32>
      %max3A_98 = arith.maximumf %max3A_97, %get3A_49 : vector<16xf32>
      %max3A_99 = arith.maximumf %max3A_98, %get3A_54 : vector<16xf32>
      %max3A_100 = arith.maximumf %max3A_99, %get3A_59 : vector<16xf32>
      %max3A_101 = arith.maximumf %max3A_100, %get3A_64 : vector<16xf32>
      %max3A_102 = arith.maximumf %max3A_101, %get3A_69 : vector<16xf32>
      %max3A_103 = arith.maximumf %max3A_102, %get3A_74 : vector<16xf32>
      %max3A_104 = arith.maximumf %max3A_103, %get3A_79 : vector<16xf32>
      %max3A_105 = arith.maximumf %max3A_104, %get3A_84 : vector<16xf32>
      %max3A_106 = arith.maximumf %max3A_105, %get3A_89 : vector<16xf32>
      %eq3A = arith.cmpf oeq, %get3A_14, %max3A_106 : vector<16xf32>
      %broadcast_in_dim3A_107 = arith.constant 0 : i32
      %broadcast_in_dim3A_108 = vector.broadcast %broadcast_in_dim3A_107 : i32 to vector<16xi32>
      %select_n3A = arith.select %eq3A, %broadcast_in_dim3A_108, %broadcast_in_dim3A_90 : vector<16xi1>, vector<16xi32>
      %min3A = arith.minsi %broadcast_in_dim3A_90, %select_n3A : vector<16xi32>
      %eq3A_109 = arith.cmpf oeq, %get3A_19, %max3A_106 : vector<16xf32>
      %broadcast_in_dim3A_110 = arith.constant 1 : i32
      %broadcast_in_dim3A_111 = vector.broadcast %broadcast_in_dim3A_110 : i32 to vector<16xi32>
      %select_n3A_112 = arith.select %eq3A_109, %broadcast_in_dim3A_111, %broadcast_in_dim3A_90 : vector<16xi1>, vector<16xi32>
      %min3A_113 = arith.minsi %min3A, %select_n3A_112 : vector<16xi32>
      %eq3A_114 = arith.cmpf oeq, %get3A_24, %max3A_106 : vector<16xf32>
      %broadcast_in_dim3A_115 = arith.constant 2 : i32
      %broadcast_in_dim3A_116 = vector.broadcast %broadcast_in_dim3A_115 : i32 to vector<16xi32>
      %select_n3A_117 = arith.select %eq3A_114, %broadcast_in_dim3A_116, %broadcast_in_dim3A_90 : vector<16xi1>, vector<16xi32>
      %min3A_118 = arith.minsi %min3A_113, %select_n3A_117 : vector<16xi32>
      %eq3A_119 = arith.cmpf oeq, %get3A_29, %max3A_106 : vector<16xf32>
      %broadcast_in_dim3A_120 = arith.constant 3 : i32
      %broadcast_in_dim3A_121 = vector.broadcast %broadcast_in_dim3A_120 : i32 to vector<16xi32>
      %select_n3A_122 = arith.select %eq3A_119, %broadcast_in_dim3A_121, %broadcast_in_dim3A_90 : vector<16xi1>, vector<16xi32>
      %min3A_123 = arith.minsi %min3A_118, %select_n3A_122 : vector<16xi32>
      %eq3A_124 = arith.cmpf oeq, %get3A_34, %max3A_106 : vector<16xf32>
      %broadcast_in_dim3A_125 = arith.constant 4 : i32
      %broadcast_in_dim3A_126 = vector.broadcast %broadcast_in_dim3A_125 : i32 to vector<16xi32>
      %select_n3A_127 = arith.select %eq3A_124, %broadcast_in_dim3A_126, %broadcast_in_dim3A_90 : vector<16xi1>, vector<16xi32>
      %min3A_128 = arith.minsi %min3A_123, %select_n3A_127 : vector<16xi32>
      %eq3A_129 = arith.cmpf oeq, %get3A_39, %max3A_106 : vector<16xf32>
      %broadcast_in_dim3A_130 = arith.constant 5 : i32
      %broadcast_in_dim3A_131 = vector.broadcast %broadcast_in_dim3A_130 : i32 to vector<16xi32>
      %select_n3A_132 = arith.select %eq3A_129, %broadcast_in_dim3A_131, %broadcast_in_dim3A_90 : vector<16xi1>, vector<16xi32>
      %min3A_133 = arith.minsi %min3A_128, %select_n3A_132 : vector<16xi32>
      %eq3A_134 = arith.cmpf oeq, %get3A_44, %max3A_106 : vector<16xf32>
      %broadcast_in_dim3A_135 = arith.constant 6 : i32
      %broadcast_in_dim3A_136 = vector.broadcast %broadcast_in_dim3A_135 : i32 to vector<16xi32>
      %select_n3A_137 = arith.select %eq3A_134, %broadcast_in_dim3A_136, %broadcast_in_dim3A_90 : vector<16xi1>, vector<16xi32>
      %min3A_138 = arith.minsi %min3A_133, %select_n3A_137 : vector<16xi32>
      %eq3A_139 = arith.cmpf oeq, %get3A_49, %max3A_106 : vector<16xf32>
      %broadcast_in_dim3A_140 = arith.constant 7 : i32
      %broadcast_in_dim3A_141 = vector.broadcast %broadcast_in_dim3A_140 : i32 to vector<16xi32>
      %select_n3A_142 = arith.select %eq3A_139, %broadcast_in_dim3A_141, %broadcast_in_dim3A_90 : vector<16xi1>, vector<16xi32>
      %min3A_143 = arith.minsi %min3A_138, %select_n3A_142 : vector<16xi32>
      %eq3A_144 = arith.cmpf oeq, %get3A_54, %max3A_106 : vector<16xf32>
      %broadcast_in_dim3A_145 = arith.constant 8 : i32
      %broadcast_in_dim3A_146 = vector.broadcast %broadcast_in_dim3A_145 : i32 to vector<16xi32>
      %select_n3A_147 = arith.select %eq3A_144, %broadcast_in_dim3A_146, %broadcast_in_dim3A_90 : vector<16xi1>, vector<16xi32>
      %min3A_148 = arith.minsi %min3A_143, %select_n3A_147 : vector<16xi32>
      %eq3A_149 = arith.cmpf oeq, %get3A_59, %max3A_106 : vector<16xf32>
      %broadcast_in_dim3A_150 = arith.constant 9 : i32
      %broadcast_in_dim3A_151 = vector.broadcast %broadcast_in_dim3A_150 : i32 to vector<16xi32>
      %select_n3A_152 = arith.select %eq3A_149, %broadcast_in_dim3A_151, %broadcast_in_dim3A_90 : vector<16xi1>, vector<16xi32>
      %min3A_153 = arith.minsi %min3A_148, %select_n3A_152 : vector<16xi32>
      %eq3A_154 = arith.cmpf oeq, %get3A_64, %max3A_106 : vector<16xf32>
      %broadcast_in_dim3A_155 = arith.constant 10 : i32
      %broadcast_in_dim3A_156 = vector.broadcast %broadcast_in_dim3A_155 : i32 to vector<16xi32>
      %select_n3A_157 = arith.select %eq3A_154, %broadcast_in_dim3A_156, %broadcast_in_dim3A_90 : vector<16xi1>, vector<16xi32>
      %min3A_158 = arith.minsi %min3A_153, %select_n3A_157 : vector<16xi32>
      %eq3A_159 = arith.cmpf oeq, %get3A_69, %max3A_106 : vector<16xf32>
      %broadcast_in_dim3A_160 = arith.constant 11 : i32
      %broadcast_in_dim3A_161 = vector.broadcast %broadcast_in_dim3A_160 : i32 to vector<16xi32>
      %select_n3A_162 = arith.select %eq3A_159, %broadcast_in_dim3A_161, %broadcast_in_dim3A_90 : vector<16xi1>, vector<16xi32>
      %min3A_163 = arith.minsi %min3A_158, %select_n3A_162 : vector<16xi32>
      %eq3A_164 = arith.cmpf oeq, %get3A_74, %max3A_106 : vector<16xf32>
      %broadcast_in_dim3A_165 = arith.constant 12 : i32
      %broadcast_in_dim3A_166 = vector.broadcast %broadcast_in_dim3A_165 : i32 to vector<16xi32>
      %select_n3A_167 = arith.select %eq3A_164, %broadcast_in_dim3A_166, %broadcast_in_dim3A_90 : vector<16xi1>, vector<16xi32>
      %min3A_168 = arith.minsi %min3A_163, %select_n3A_167 : vector<16xi32>
      %eq3A_169 = arith.cmpf oeq, %get3A_79, %max3A_106 : vector<16xf32>
      %broadcast_in_dim3A_170 = arith.constant 13 : i32
      %broadcast_in_dim3A_171 = vector.broadcast %broadcast_in_dim3A_170 : i32 to vector<16xi32>
      %select_n3A_172 = arith.select %eq3A_169, %broadcast_in_dim3A_171, %broadcast_in_dim3A_90 : vector<16xi1>, vector<16xi32>
      %min3A_173 = arith.minsi %min3A_168, %select_n3A_172 : vector<16xi32>
      %eq3A_174 = arith.cmpf oeq, %get3A_84, %max3A_106 : vector<16xf32>
      %broadcast_in_dim3A_175 = arith.constant 14 : i32
      %broadcast_in_dim3A_176 = vector.broadcast %broadcast_in_dim3A_175 : i32 to vector<16xi32>
      %select_n3A_177 = arith.select %eq3A_174, %broadcast_in_dim3A_176, %broadcast_in_dim3A_90 : vector<16xi1>, vector<16xi32>
      %min3A_178 = arith.minsi %min3A_173, %select_n3A_177 : vector<16xi32>
      %eq3A_179 = arith.cmpf oeq, %get3A_89, %max3A_106 : vector<16xf32>
      %broadcast_in_dim3A_180 = arith.constant 15 : i32
      %broadcast_in_dim3A_181 = vector.broadcast %broadcast_in_dim3A_180 : i32 to vector<16xi32>
      %select_n3A_182 = arith.select %eq3A_179, %broadcast_in_dim3A_181, %broadcast_in_dim3A_90 : vector<16xi1>, vector<16xi32>
      %min3A_183 = arith.minsi %min3A_178, %select_n3A_182 : vector<16xi32>
      %eq3A_184 = arith.constant 0 : i32
      %eq3A_185 = vector.broadcast %eq3A_184 : i32 to vector<16xi32>
      %eq3A_186 = arith.cmpi eq, %min3A_183, %eq3A_185 : vector<16xi32>
      %select_n3A_187 = arith.select %eq3A_186, %broadcast_in_dim3A_92, %get3A_14 : vector<16xi1>, vector<16xf32>
      %eq3A_188 = arith.constant 1 : i32
      %eq3A_189 = vector.broadcast %eq3A_188 : i32 to vector<16xi32>
      %eq3A_190 = arith.cmpi eq, %min3A_183, %eq3A_189 : vector<16xi32>
      %select_n3A_191 = arith.select %eq3A_190, %broadcast_in_dim3A_92, %get3A_19 : vector<16xi1>, vector<16xf32>
      %eq3A_192 = arith.constant 2 : i32
      %eq3A_193 = vector.broadcast %eq3A_192 : i32 to vector<16xi32>
      %eq3A_194 = arith.cmpi eq, %min3A_183, %eq3A_193 : vector<16xi32>
      %select_n3A_195 = arith.select %eq3A_194, %broadcast_in_dim3A_92, %get3A_24 : vector<16xi1>, vector<16xf32>
      %eq3A_196 = arith.constant 3 : i32
      %eq3A_197 = vector.broadcast %eq3A_196 : i32 to vector<16xi32>
      %eq3A_198 = arith.cmpi eq, %min3A_183, %eq3A_197 : vector<16xi32>
      %select_n3A_199 = arith.select %eq3A_198, %broadcast_in_dim3A_92, %get3A_29 : vector<16xi1>, vector<16xf32>
      %eq3A_200 = arith.constant 4 : i32
      %eq3A_201 = vector.broadcast %eq3A_200 : i32 to vector<16xi32>
      %eq3A_202 = arith.cmpi eq, %min3A_183, %eq3A_201 : vector<16xi32>
      %select_n3A_203 = arith.select %eq3A_202, %broadcast_in_dim3A_92, %get3A_34 : vector<16xi1>, vector<16xf32>
      %eq3A_204 = arith.constant 5 : i32
      %eq3A_205 = vector.broadcast %eq3A_204 : i32 to vector<16xi32>
      %eq3A_206 = arith.cmpi eq, %min3A_183, %eq3A_205 : vector<16xi32>
      %select_n3A_207 = arith.select %eq3A_206, %broadcast_in_dim3A_92, %get3A_39 : vector<16xi1>, vector<16xf32>
      %eq3A_208 = arith.constant 6 : i32
      %eq3A_209 = vector.broadcast %eq3A_208 : i32 to vector<16xi32>
      %eq3A_210 = arith.cmpi eq, %min3A_183, %eq3A_209 : vector<16xi32>
      %select_n3A_211 = arith.select %eq3A_210, %broadcast_in_dim3A_92, %get3A_44 : vector<16xi1>, vector<16xf32>
      %eq3A_212 = arith.constant 7 : i32
      %eq3A_213 = vector.broadcast %eq3A_212 : i32 to vector<16xi32>
      %eq3A_214 = arith.cmpi eq, %min3A_183, %eq3A_213 : vector<16xi32>
      %select_n3A_215 = arith.select %eq3A_214, %broadcast_in_dim3A_92, %get3A_49 : vector<16xi1>, vector<16xf32>
      %eq3A_216 = arith.constant 8 : i32
      %eq3A_217 = vector.broadcast %eq3A_216 : i32 to vector<16xi32>
      %eq3A_218 = arith.cmpi eq, %min3A_183, %eq3A_217 : vector<16xi32>
      %select_n3A_219 = arith.select %eq3A_218, %broadcast_in_dim3A_92, %get3A_54 : vector<16xi1>, vector<16xf32>
      %eq3A_220 = arith.constant 9 : i32
      %eq3A_221 = vector.broadcast %eq3A_220 : i32 to vector<16xi32>
      %eq3A_222 = arith.cmpi eq, %min3A_183, %eq3A_221 : vector<16xi32>
      %select_n3A_223 = arith.select %eq3A_222, %broadcast_in_dim3A_92, %get3A_59 : vector<16xi1>, vector<16xf32>
      %eq3A_224 = arith.constant 10 : i32
      %eq3A_225 = vector.broadcast %eq3A_224 : i32 to vector<16xi32>
      %eq3A_226 = arith.cmpi eq, %min3A_183, %eq3A_225 : vector<16xi32>
      %select_n3A_227 = arith.select %eq3A_226, %broadcast_in_dim3A_92, %get3A_64 : vector<16xi1>, vector<16xf32>
      %eq3A_228 = arith.constant 11 : i32
      %eq3A_229 = vector.broadcast %eq3A_228 : i32 to vector<16xi32>
      %eq3A_230 = arith.cmpi eq, %min3A_183, %eq3A_229 : vector<16xi32>
      %select_n3A_231 = arith.select %eq3A_230, %broadcast_in_dim3A_92, %get3A_69 : vector<16xi1>, vector<16xf32>
      %eq3A_232 = arith.constant 12 : i32
      %eq3A_233 = vector.broadcast %eq3A_232 : i32 to vector<16xi32>
      %eq3A_234 = arith.cmpi eq, %min3A_183, %eq3A_233 : vector<16xi32>
      %select_n3A_235 = arith.select %eq3A_234, %broadcast_in_dim3A_92, %get3A_74 : vector<16xi1>, vector<16xf32>
      %eq3A_236 = arith.constant 13 : i32
      %eq3A_237 = vector.broadcast %eq3A_236 : i32 to vector<16xi32>
      %eq3A_238 = arith.cmpi eq, %min3A_183, %eq3A_237 : vector<16xi32>
      %select_n3A_239 = arith.select %eq3A_238, %broadcast_in_dim3A_92, %get3A_79 : vector<16xi1>, vector<16xf32>
      %eq3A_240 = arith.constant 14 : i32
      %eq3A_241 = vector.broadcast %eq3A_240 : i32 to vector<16xi32>
      %eq3A_242 = arith.cmpi eq, %min3A_183, %eq3A_241 : vector<16xi32>
      %select_n3A_243 = arith.select %eq3A_242, %broadcast_in_dim3A_92, %get3A_84 : vector<16xi1>, vector<16xf32>
      %eq3A_244 = arith.constant 15 : i32
      %eq3A_245 = vector.broadcast %eq3A_244 : i32 to vector<16xi32>
      %eq3A_246 = arith.cmpi eq, %min3A_183, %eq3A_245 : vector<16xi32>
      %select_n3A_247 = arith.select %eq3A_246, %broadcast_in_dim3A_92, %get3A_89 : vector<16xi1>, vector<16xf32>
      %max3A_248 = arith.maximumf %select_n3A_187, %select_n3A_191 : vector<16xf32>
      %max3A_249 = arith.maximumf %max3A_248, %select_n3A_195 : vector<16xf32>
      %max3A_250 = arith.maximumf %max3A_249, %select_n3A_199 : vector<16xf32>
      %max3A_251 = arith.maximumf %max3A_250, %select_n3A_203 : vector<16xf32>
      %max3A_252 = arith.maximumf %max3A_251, %select_n3A_207 : vector<16xf32>
      %max3A_253 = arith.maximumf %max3A_252, %select_n3A_211 : vector<16xf32>
      %max3A_254 = arith.maximumf %max3A_253, %select_n3A_215 : vector<16xf32>
      %max3A_255 = arith.maximumf %max3A_254, %select_n3A_219 : vector<16xf32>
      %max3A_256 = arith.maximumf %max3A_255, %select_n3A_223 : vector<16xf32>
      %max3A_257 = arith.maximumf %max3A_256, %select_n3A_227 : vector<16xf32>
      %max3A_258 = arith.maximumf %max3A_257, %select_n3A_231 : vector<16xf32>
      %max3A_259 = arith.maximumf %max3A_258, %select_n3A_235 : vector<16xf32>
      %max3A_260 = arith.maximumf %max3A_259, %select_n3A_239 : vector<16xf32>
      %max3A_261 = arith.maximumf %max3A_260, %select_n3A_243 : vector<16xf32>
      %max3A_262 = arith.maximumf %max3A_261, %select_n3A_247 : vector<16xf32>
      %eq3A_263 = arith.cmpf oeq, %select_n3A_187, %max3A_262 : vector<16xf32>
      %broadcast_in_dim3A_264 = arith.constant 0 : i32
      %broadcast_in_dim3A_265 = vector.broadcast %broadcast_in_dim3A_264 : i32 to vector<16xi32>
      %select_n3A_266 = arith.select %eq3A_263, %broadcast_in_dim3A_265, %broadcast_in_dim3A_90 : vector<16xi1>, vector<16xi32>
      %min3A_267 = arith.minsi %broadcast_in_dim3A_90, %select_n3A_266 : vector<16xi32>
      %eq3A_268 = arith.cmpf oeq, %select_n3A_191, %max3A_262 : vector<16xf32>
      %broadcast_in_dim3A_269 = arith.constant 1 : i32
      %broadcast_in_dim3A_270 = vector.broadcast %broadcast_in_dim3A_269 : i32 to vector<16xi32>
      %select_n3A_271 = arith.select %eq3A_268, %broadcast_in_dim3A_270, %broadcast_in_dim3A_90 : vector<16xi1>, vector<16xi32>
      %min3A_272 = arith.minsi %min3A_267, %select_n3A_271 : vector<16xi32>
      %eq3A_273 = arith.cmpf oeq, %select_n3A_195, %max3A_262 : vector<16xf32>
      %broadcast_in_dim3A_274 = arith.constant 2 : i32
      %broadcast_in_dim3A_275 = vector.broadcast %broadcast_in_dim3A_274 : i32 to vector<16xi32>
      %select_n3A_276 = arith.select %eq3A_273, %broadcast_in_dim3A_275, %broadcast_in_dim3A_90 : vector<16xi1>, vector<16xi32>
      %min3A_277 = arith.minsi %min3A_272, %select_n3A_276 : vector<16xi32>
      %eq3A_278 = arith.cmpf oeq, %select_n3A_199, %max3A_262 : vector<16xf32>
      %broadcast_in_dim3A_279 = arith.constant 3 : i32
      %broadcast_in_dim3A_280 = vector.broadcast %broadcast_in_dim3A_279 : i32 to vector<16xi32>
      %select_n3A_281 = arith.select %eq3A_278, %broadcast_in_dim3A_280, %broadcast_in_dim3A_90 : vector<16xi1>, vector<16xi32>
      %min3A_282 = arith.minsi %min3A_277, %select_n3A_281 : vector<16xi32>
      %eq3A_283 = arith.cmpf oeq, %select_n3A_203, %max3A_262 : vector<16xf32>
      %broadcast_in_dim3A_284 = arith.constant 4 : i32
      %broadcast_in_dim3A_285 = vector.broadcast %broadcast_in_dim3A_284 : i32 to vector<16xi32>
      %select_n3A_286 = arith.select %eq3A_283, %broadcast_in_dim3A_285, %broadcast_in_dim3A_90 : vector<16xi1>, vector<16xi32>
      %min3A_287 = arith.minsi %min3A_282, %select_n3A_286 : vector<16xi32>
      %eq3A_288 = arith.cmpf oeq, %select_n3A_207, %max3A_262 : vector<16xf32>
      %broadcast_in_dim3A_289 = arith.constant 5 : i32
      %broadcast_in_dim3A_290 = vector.broadcast %broadcast_in_dim3A_289 : i32 to vector<16xi32>
      %select_n3A_291 = arith.select %eq3A_288, %broadcast_in_dim3A_290, %broadcast_in_dim3A_90 : vector<16xi1>, vector<16xi32>
      %min3A_292 = arith.minsi %min3A_287, %select_n3A_291 : vector<16xi32>
      %eq3A_293 = arith.cmpf oeq, %select_n3A_211, %max3A_262 : vector<16xf32>
      %broadcast_in_dim3A_294 = arith.constant 6 : i32
      %broadcast_in_dim3A_295 = vector.broadcast %broadcast_in_dim3A_294 : i32 to vector<16xi32>
      %select_n3A_296 = arith.select %eq3A_293, %broadcast_in_dim3A_295, %broadcast_in_dim3A_90 : vector<16xi1>, vector<16xi32>
      %min3A_297 = arith.minsi %min3A_292, %select_n3A_296 : vector<16xi32>
      %eq3A_298 = arith.cmpf oeq, %select_n3A_215, %max3A_262 : vector<16xf32>
      %broadcast_in_dim3A_299 = arith.constant 7 : i32
      %broadcast_in_dim3A_300 = vector.broadcast %broadcast_in_dim3A_299 : i32 to vector<16xi32>
      %select_n3A_301 = arith.select %eq3A_298, %broadcast_in_dim3A_300, %broadcast_in_dim3A_90 : vector<16xi1>, vector<16xi32>
      %min3A_302 = arith.minsi %min3A_297, %select_n3A_301 : vector<16xi32>
      %eq3A_303 = arith.cmpf oeq, %select_n3A_219, %max3A_262 : vector<16xf32>
      %broadcast_in_dim3A_304 = arith.constant 8 : i32
      %broadcast_in_dim3A_305 = vector.broadcast %broadcast_in_dim3A_304 : i32 to vector<16xi32>
      %select_n3A_306 = arith.select %eq3A_303, %broadcast_in_dim3A_305, %broadcast_in_dim3A_90 : vector<16xi1>, vector<16xi32>
      %min3A_307 = arith.minsi %min3A_302, %select_n3A_306 : vector<16xi32>
      %eq3A_308 = arith.cmpf oeq, %select_n3A_223, %max3A_262 : vector<16xf32>
      %broadcast_in_dim3A_309 = arith.constant 9 : i32
      %broadcast_in_dim3A_310 = vector.broadcast %broadcast_in_dim3A_309 : i32 to vector<16xi32>
      %select_n3A_311 = arith.select %eq3A_308, %broadcast_in_dim3A_310, %broadcast_in_dim3A_90 : vector<16xi1>, vector<16xi32>
      %min3A_312 = arith.minsi %min3A_307, %select_n3A_311 : vector<16xi32>
      %eq3A_313 = arith.cmpf oeq, %select_n3A_227, %max3A_262 : vector<16xf32>
      %broadcast_in_dim3A_314 = arith.constant 10 : i32
      %broadcast_in_dim3A_315 = vector.broadcast %broadcast_in_dim3A_314 : i32 to vector<16xi32>
      %select_n3A_316 = arith.select %eq3A_313, %broadcast_in_dim3A_315, %broadcast_in_dim3A_90 : vector<16xi1>, vector<16xi32>
      %min3A_317 = arith.minsi %min3A_312, %select_n3A_316 : vector<16xi32>
      %eq3A_318 = arith.cmpf oeq, %select_n3A_231, %max3A_262 : vector<16xf32>
      %broadcast_in_dim3A_319 = arith.constant 11 : i32
      %broadcast_in_dim3A_320 = vector.broadcast %broadcast_in_dim3A_319 : i32 to vector<16xi32>
      %select_n3A_321 = arith.select %eq3A_318, %broadcast_in_dim3A_320, %broadcast_in_dim3A_90 : vector<16xi1>, vector<16xi32>
      %min3A_322 = arith.minsi %min3A_317, %select_n3A_321 : vector<16xi32>
      %eq3A_323 = arith.cmpf oeq, %select_n3A_235, %max3A_262 : vector<16xf32>
      %broadcast_in_dim3A_324 = arith.constant 12 : i32
      %broadcast_in_dim3A_325 = vector.broadcast %broadcast_in_dim3A_324 : i32 to vector<16xi32>
      %select_n3A_326 = arith.select %eq3A_323, %broadcast_in_dim3A_325, %broadcast_in_dim3A_90 : vector<16xi1>, vector<16xi32>
      %min3A_327 = arith.minsi %min3A_322, %select_n3A_326 : vector<16xi32>
      %eq3A_328 = arith.cmpf oeq, %select_n3A_239, %max3A_262 : vector<16xf32>
      %broadcast_in_dim3A_329 = arith.constant 13 : i32
      %broadcast_in_dim3A_330 = vector.broadcast %broadcast_in_dim3A_329 : i32 to vector<16xi32>
      %select_n3A_331 = arith.select %eq3A_328, %broadcast_in_dim3A_330, %broadcast_in_dim3A_90 : vector<16xi1>, vector<16xi32>
      %min3A_332 = arith.minsi %min3A_327, %select_n3A_331 : vector<16xi32>
      %eq3A_333 = arith.cmpf oeq, %select_n3A_243, %max3A_262 : vector<16xf32>
      %broadcast_in_dim3A_334 = arith.constant 14 : i32
      %broadcast_in_dim3A_335 = vector.broadcast %broadcast_in_dim3A_334 : i32 to vector<16xi32>
      %select_n3A_336 = arith.select %eq3A_333, %broadcast_in_dim3A_335, %broadcast_in_dim3A_90 : vector<16xi1>, vector<16xi32>
      %min3A_337 = arith.minsi %min3A_332, %select_n3A_336 : vector<16xi32>
      %eq3A_338 = arith.cmpf oeq, %select_n3A_247, %max3A_262 : vector<16xf32>
      %broadcast_in_dim3A_339 = arith.constant 15 : i32
      %broadcast_in_dim3A_340 = vector.broadcast %broadcast_in_dim3A_339 : i32 to vector<16xi32>
      %select_n3A_341 = arith.select %eq3A_338, %broadcast_in_dim3A_340, %broadcast_in_dim3A_90 : vector<16xi1>, vector<16xi32>
      %min3A_342 = arith.minsi %min3A_337, %select_n3A_341 : vector<16xi32>
      %sub3A = arith.subf %get3A_14, %max3A_106 : vector<16xf32>
      %exp3A = math.exp %sub3A : vector<16xf32>
      %sub3A_343 = arith.subf %get3A_19, %max3A_106 : vector<16xf32>
      %exp3A_344 = math.exp %sub3A_343 : vector<16xf32>
      %add3A_345 = arith.addf %exp3A, %exp3A_344 : vector<16xf32>
      %sub3A_346 = arith.subf %get3A_24, %max3A_106 : vector<16xf32>
      %exp3A_347 = math.exp %sub3A_346 : vector<16xf32>
      %add3A_348 = arith.addf %add3A_345, %exp3A_347 : vector<16xf32>
      %sub3A_349 = arith.subf %get3A_29, %max3A_106 : vector<16xf32>
      %exp3A_350 = math.exp %sub3A_349 : vector<16xf32>
      %add3A_351 = arith.addf %add3A_348, %exp3A_350 : vector<16xf32>
      %sub3A_352 = arith.subf %get3A_34, %max3A_106 : vector<16xf32>
      %exp3A_353 = math.exp %sub3A_352 : vector<16xf32>
      %add3A_354 = arith.addf %add3A_351, %exp3A_353 : vector<16xf32>
      %sub3A_355 = arith.subf %get3A_39, %max3A_106 : vector<16xf32>
      %exp3A_356 = math.exp %sub3A_355 : vector<16xf32>
      %add3A_357 = arith.addf %add3A_354, %exp3A_356 : vector<16xf32>
      %sub3A_358 = arith.subf %get3A_44, %max3A_106 : vector<16xf32>
      %exp3A_359 = math.exp %sub3A_358 : vector<16xf32>
      %add3A_360 = arith.addf %add3A_357, %exp3A_359 : vector<16xf32>
      %sub3A_361 = arith.subf %get3A_49, %max3A_106 : vector<16xf32>
      %exp3A_362 = math.exp %sub3A_361 : vector<16xf32>
      %add3A_363 = arith.addf %add3A_360, %exp3A_362 : vector<16xf32>
      %sub3A_364 = arith.subf %get3A_54, %max3A_106 : vector<16xf32>
      %exp3A_365 = math.exp %sub3A_364 : vector<16xf32>
      %add3A_366 = arith.addf %add3A_363, %exp3A_365 : vector<16xf32>
      %sub3A_367 = arith.subf %get3A_59, %max3A_106 : vector<16xf32>
      %exp3A_368 = math.exp %sub3A_367 : vector<16xf32>
      %add3A_369 = arith.addf %add3A_366, %exp3A_368 : vector<16xf32>
      %sub3A_370 = arith.subf %get3A_64, %max3A_106 : vector<16xf32>
      %exp3A_371 = math.exp %sub3A_370 : vector<16xf32>
      %add3A_372 = arith.addf %add3A_369, %exp3A_371 : vector<16xf32>
      %sub3A_373 = arith.subf %get3A_69, %max3A_106 : vector<16xf32>
      %exp3A_374 = math.exp %sub3A_373 : vector<16xf32>
      %add3A_375 = arith.addf %add3A_372, %exp3A_374 : vector<16xf32>
      %sub3A_376 = arith.subf %get3A_74, %max3A_106 : vector<16xf32>
      %exp3A_377 = math.exp %sub3A_376 : vector<16xf32>
      %add3A_378 = arith.addf %add3A_375, %exp3A_377 : vector<16xf32>
      %sub3A_379 = arith.subf %get3A_79, %max3A_106 : vector<16xf32>
      %exp3A_380 = math.exp %sub3A_379 : vector<16xf32>
      %add3A_381 = arith.addf %add3A_378, %exp3A_380 : vector<16xf32>
      %sub3A_382 = arith.subf %get3A_84, %max3A_106 : vector<16xf32>
      %exp3A_383 = math.exp %sub3A_382 : vector<16xf32>
      %add3A_384 = arith.addf %add3A_381, %exp3A_383 : vector<16xf32>
      %sub3A_385 = arith.subf %get3A_89, %max3A_106 : vector<16xf32>
      %exp3A_386 = math.exp %sub3A_385 : vector<16xf32>
      %add3A_387 = arith.addf %add3A_384, %exp3A_386 : vector<16xf32>
      %div3A = arith.constant 1.000000e+00 : f32
      %div3A_388 = vector.broadcast %div3A : f32 to vector<16xf32>
      %div3A_389 = arith.divf %div3A_388, %add3A_387 : vector<16xf32>
      %sub3A_390 = arith.subf %max3A_262, %max3A_106 : vector<16xf32>
      %exp3A_391 = math.exp %sub3A_390 : vector<16xf32>
      %div3A_392 = arith.divf %exp3A_391, %add3A_387 : vector<16xf32>
      %add3A_393 = arith.addf %div3A_389, %div3A_392 : vector<16xf32>
      %add3A_394 = arith.constant 9.99999974E-6 : f32
      %add3A_395 = vector.broadcast %add3A_394 : f32 to vector<16xf32>
      %add3A_396 = arith.addf %add3A_393, %add3A_395 : vector<16xf32>
      %div3A_397 = arith.divf %div3A_389, %add3A_396 : vector<16xf32>
      %swap3A = arith.index_cast %mul3A_10 : i32 to index
      %swap3A_398 = tpu.vector_load %arg8[%swap3A] {strides = array<i32>} : memref<512xf32, #tpu.memory_space<vmem>>, vector<16xf32>,
      %swap3A_399 = vector.shape_cast %swap3A_398 : vector<16xf32> to vector<16xf32>
      %swap3A_400 = vector.shape_cast %div3A_397 : vector<16xf32> to vector<16xf32>
      tpu.vector_store %arg8[%swap3A], %swap3A_400 {strides = array<i32>} : memref<512xf32, #tpu.memory_space<vmem>>, vector<16xf32>,
      %div3A_401 = arith.divf %div3A_392, %add3A_396 : vector<16xf32>
      %swap3A_402 = arith.index_cast %mul3A_10 : i32 to index
      %swap3A_403 = tpu.vector_load %arg9[%swap3A_402] {strides = array<i32>} : memref<512xf32, #tpu.memory_space<vmem>>, vector<16xf32>,
      %swap3A_404 = vector.shape_cast %swap3A_403 : vector<16xf32> to vector<16xf32>
      %swap3A_405 = vector.shape_cast %div3A_401 : vector<16xf32> to vector<16xf32>
      tpu.vector_store %arg9[%swap3A_402], %swap3A_405 {strides = array<i32>} : memref<512xf32, #tpu.memory_space<vmem>>, vector<16xf32>,
      %swap3A_406 = arith.index_cast %mul3A_10 : i32 to index
      %swap3A_407 = tpu.vector_load %arg10[%swap3A_406] {strides = array<i32>} : memref<512xi32, #tpu.memory_space<vmem>>, vector<16xi32>,
      %swap3A_408 = vector.shape_cast %swap3A_407 : vector<16xi32> to vector<16xi32>
      %swap3A_409 = vector.shape_cast %min3A_183 : vector<16xi32> to vector<16xi32>
      tpu.vector_store %arg10[%swap3A_406], %swap3A_409 {strides = array<i32>} : memref<512xi32, #tpu.memory_space<vmem>>, vector<16xi32>,
      %swap3A_410 = arith.index_cast %mul3A_10 : i32 to index
      %swap3A_411 = tpu.vector_load %arg11[%swap3A_410] {strides = array<i32>} : memref<512xi32, #tpu.memory_space<vmem>>, vector<16xi32>,
      %swap3A_412 = vector.shape_cast %swap3A_411 : vector<16xi32> to vector<16xi32>
      %swap3A_413 = vector.shape_cast %min3A_342 : vector<16xi32> to vector<16xi32>
      tpu.vector_store %arg11[%swap3A_410], %swap3A_413 {strides = array<i32>} : memref<512xi32, #tpu.memory_space<vmem>>, vector<16xi32>,
    }
    %scan3A_5 = arith.constant 32 : i32
    %mul3A_6 = arith.constant 512 : i32
    %mul3A_7 = arith.muli %add3A, %mul3A_6 : i32
    "tpu.region"() ({
      %run_scoped3A = tpu.sem_alloc : memref<!tpu.dma_semaphore, #tpu.memory_space<semaphore_mem>>
      %dma_start3A = tpu.memref_slice %arg3[%mul3A_7] : memref<16384xf32, #tpu.memory_space<hbm>> -> memref<512xf32, #tpu.memory_space<hbm>>
      %dma_start3A_8 = tpu.memref_slice %arg3[%mul3A_7] : memref<16384xf32, #tpu.memory_space<hbm>> -> memref<512xf32, #tpu.memory_space<hbm>>
      tpu.enqueue_dma source(%arg8 : memref<512xf32, #tpu.memory_space<vmem>>) target(%dma_start3A_8 : memref<512xf32, #tpu.memory_space<hbm>>) target_semaphore(%run_scoped3A : memref<!tpu.dma_semaphore, #tpu.memory_space<semaphore_mem>>)
      %dma_wait3A = tpu.memref_slice %arg3[%mul3A_7] : memref<16384xf32, #tpu.memory_space<hbm>> -> memref<512xf32, #tpu.memory_space<hbm>>
      %dma_wait3A_9 = tpu.memref_slice %arg3[%mul3A_7] : memref<16384xf32, #tpu.memory_space<hbm>> -> memref<512xf32, #tpu.memory_space<hbm>>
      tpu.wait_dma2 semaphore(%run_scoped3A : memref<!tpu.dma_semaphore, #tpu.memory_space<semaphore_mem>>) src(%arg8 : memref<512xf32, #tpu.memory_space<vmem>>) dst(%dma_wait3A_9 : memref<512xf32, #tpu.memory_space<hbm>>)
      tpu.yield
    }) : () -> ()
    "tpu.region"() ({
      %run_scoped3A = tpu.sem_alloc : memref<!tpu.dma_semaphore, #tpu.memory_space<semaphore_mem>>
      %dma_start3A = tpu.memref_slice %arg4[%mul3A_7] : memref<16384xf32, #tpu.memory_space<hbm>> -> memref<512xf32, #tpu.memory_space<hbm>>
      %dma_start3A_8 = tpu.memref_slice %arg4[%mul3A_7] : memref<16384xf32, #tpu.memory_space<hbm>> -> memref<512xf32, #tpu.memory_space<hbm>>
      tpu.enqueue_dma source(%arg9 : memref<512xf32, #tpu.memory_space<vmem>>) target(%dma_start3A_8 : memref<512xf32, #tpu.memory_space<hbm>>) target_semaphore(%run_scoped3A : memref<!tpu.dma_semaphore, #tpu.memory_space<semaphore_mem>>)
      %dma_wait3A = tpu.memref_slice %arg4[%mul3A_7] : memref<16384xf32, #tpu.memory_space<hbm>> -> memref<512xf32, #tpu.memory_space<hbm>>
      %dma_wait3A_9 = tpu.memref_slice %arg4[%mul3A_7] : memref<16384xf32, #tpu.memory_space<hbm>> -> memref<512xf32, #tpu.memory_space<hbm>>
      tpu.wait_dma2 semaphore(%run_scoped3A : memref<!tpu.dma_semaphore, #tpu.memory_space<semaphore_mem>>) src(%arg9 : memref<512xf32, #tpu.memory_space<vmem>>) dst(%dma_wait3A_9 : memref<512xf32, #tpu.memory_space<hbm>>)
      tpu.yield
    }) : () -> ()
    "tpu.region"() ({
      %run_scoped3A = tpu.sem_alloc : memref<!tpu.dma_semaphore, #tpu.memory_space<semaphore_mem>>
      %dma_start3A = tpu.memref_slice %arg5[%mul3A_7] : memref<16384xi32, #tpu.memory_space<hbm>> -> memref<512xi32, #tpu.memory_space<hbm>>
      %dma_start3A_8 = tpu.memref_slice %arg5[%mul3A_7] : memref<16384xi32, #tpu.memory_space<hbm>> -> memref<512xi32, #tpu.memory_space<hbm>>
      tpu.enqueue_dma source(%arg10 : memref<512xi32, #tpu.memory_space<vmem>>) target(%dma_start3A_8 : memref<512xi32, #tpu.memory_space<hbm>>) target_semaphore(%run_scoped3A : memref<!tpu.dma_semaphore, #tpu.memory_space<semaphore_mem>>)
      %dma_wait3A = tpu.memref_slice %arg5[%mul3A_7] : memref<16384xi32, #tpu.memory_space<hbm>> -> memref<512xi32, #tpu.memory_space<hbm>>
      %dma_wait3A_9 = tpu.memref_slice %arg5[%mul3A_7] : memref<16384xi32, #tpu.memory_space<hbm>> -> memref<512xi32, #tpu.memory_space<hbm>>
      tpu.wait_dma2 semaphore(%run_scoped3A : memref<!tpu.dma_semaphore, #tpu.memory_space<semaphore_mem>>) src(%arg10 : memref<512xi32, #tpu.memory_space<vmem>>) dst(%dma_wait3A_9 : memref<512xi32, #tpu.memory_space<hbm>>)
      tpu.yield
    }) : () -> ()
    "tpu.region"() ({
      %run_scoped3A = tpu.sem_alloc : memref<!tpu.dma_semaphore, #tpu.memory_space<semaphore_mem>>
      %dma_start3A = tpu.memref_slice %arg6[%mul3A_7] : memref<16384xi32, #tpu.memory_space<hbm>> -> memref<512xi32, #tpu.memory_space<hbm>>
      %dma_start3A_8 = tpu.memref_slice %arg6[%mul3A_7] : memref<16384xi32, #tpu.memory_space<hbm>> -> memref<512xi32, #tpu.memory_space<hbm>>
      tpu.enqueue_dma source(%arg11 : memref<512xi32, #tpu.memory_space<vmem>>) target(%dma_start3A_8 : memref<512xi32, #tpu.memory_space<hbm>>) target_semaphore(%run_scoped3A : memref<!tpu.dma_semaphore, #tpu.memory_space<semaphore_mem>>)
      %dma_wait3A = tpu.memref_slice %arg6[%mul3A_7] : memref<16384xi32, #tpu.memory_space<hbm>> -> memref<512xi32, #tpu.memory_space<hbm>>
      %dma_wait3A_9 = tpu.memref_slice %arg6[%mul3A_7] : memref<16384xi32, #tpu.memory_space<hbm>> -> memref<512xi32, #tpu.memory_space<hbm>>
      tpu.wait_dma2 semaphore(%run_scoped3A : memref<!tpu.dma_semaphore, #tpu.memory_space<semaphore_mem>>) src(%arg11 : memref<512xi32, #tpu.memory_space<vmem>>) dst(%dma_wait3A_9 : memref<512xi32, #tpu.memory_space<hbm>>)
      tpu.yield
    }) : () -> ()
    return
  }
}

module attributes {stable_mosaic.version = 14 : i64} {
  func.func @_logits_kernel(%arg0: i32, %arg1: memref<512x2048xf32, #tpu.memory_space<vmem>>, %arg2: memref<512x2048xf32, #tpu.memory_space<vmem>>, %arg3: memref<2048x2048xbf16, #tpu.memory_space<vmem>>, %arg4: memref<1x2048xf32, #tpu.memory_space<vmem>>, %arg5: memref<16x2048xf32, #tpu.memory_space<vmem>>, %arg6: memref<1x16x512xf32, #tpu.memory_space<vmem>>) attributes {dimension_semantics = [#tpu.dimension_semantics<arbitrary>], iteration_bounds = array<i64: 32>, scalar_prefetch = 0 : i64, scratch_operands = 0 : i64, tpu.core_type = #tpu.core_type<tc>, window_params = [{transform_indices = @transform_0, window_bounds = array<i64: 512, 2048>}, {transform_indices = @transform_1, window_bounds = array<i64: 512, 2048>}, {pipeline_mode = #tpu.pipeline_mode<synchronous>, transform_indices = @transform_2, window_bounds = array<i64: 2048, 2048>}, {pipeline_mode = #tpu.pipeline_mode<synchronous>, transform_indices = @transform_3, window_bounds = array<i64: 1, 2048>}, {pipeline_mode = #tpu.pipeline_mode<synchronous>, transform_indices = @transform_4, window_bounds = array<i64: 16, 2048>}, {transform_indices = @transform_5, window_bounds = array<i64: 1, 16, 512>}]} {
    %get3A = arith.constant 0 : index
    %get3A_0 = arith.constant 0 : index
    %get3A_1 = vector.load %arg2[%get3A, %get3A_0] : memref<512x2048xf32, #tpu.memory_space<vmem>>, vector<512x2048xf32>
    %convert_element_type3A = arith.truncf %get3A_1 : vector<512x2048xf32> to vector<512x2048xbf16>
    %get3A_2 = arith.constant 0 : index
    %get3A_3 = arith.constant 0 : index
    %get3A_4 = vector.load %arg3[%get3A_2, %get3A_3] : memref<2048x2048xbf16, #tpu.memory_space<vmem>>, vector<2048x2048xbf16>
    %dot_general3A = arith.constant dense<0.000000e+00> : vector<512x2048xf32>
    %dot_general3A_5 = tpu.matmul %convert_element_type3A, %get3A_4, %dot_general3A {dimension_numbers = #tpu.dot_dimension_numbers<[1], [1], [0], [0], [0, 0, 1, 0], [], []>, transpose_lhs_hint = false} : vector<512x2048xbf16>, vector<2048x2048xbf16>, vector<512x2048xf32> -> vector<512x2048xf32>
    %get3A_6 = arith.constant 0 : index
    %get3A_7 = arith.constant 0 : index
    %get3A_8 = vector.load %arg1[%get3A_6, %get3A_7] : memref<512x2048xf32, #tpu.memory_space<vmem>>, vector<512x2048xf32>
    %add3A = arith.addf %get3A_8, %dot_general3A_5 : vector<512x2048xf32>
    %get3A_9 = arith.constant 0 : index
    %get3A_10 = arith.constant 0 : index
    %get3A_11 = vector.load %arg4[%get3A_9, %get3A_10] : memref<1x2048xf32, #tpu.memory_space<vmem>>, vector<1x2048xf32>
    %add3A_12 = vector.broadcast %get3A_11 : vector<1x2048xf32> to vector<512x2048xf32>
    %add3A_13 = arith.addf %add3A, %add3A_12 : vector<512x2048xf32>
    %get3A_14 = arith.constant 0 : index
    %get3A_15 = arith.constant 0 : index
    %get3A_16 = vector.load %arg5[%get3A_14, %get3A_15] : memref<16x2048xf32, #tpu.memory_space<vmem>>, vector<16x2048xf32>
    %convert_element_type3A_17 = arith.truncf %get3A_16 : vector<16x2048xf32> to vector<16x2048xbf16>
    %convert_element_type3A_18 = arith.truncf %add3A_13 : vector<512x2048xf32> to vector<512x2048xbf16>
    %dot_general3A_19 = arith.constant dense<0.000000e+00> : vector<16x512xf32>
    %dot_general3A_20 = tpu.matmul %convert_element_type3A_17, %convert_element_type3A_18, %dot_general3A_19 {dimension_numbers = #tpu.dot_dimension_numbers<[1], [1], [0], [0], [0, 0, 1, 0], [], []>, transpose_lhs_hint = false} : vector<16x2048xbf16>, vector<512x2048xbf16>, vector<16x512xf32> -> vector<16x512xf32>
    %reshape3A = vector.shape_cast %dot_general3A_20 : vector<16x512xf32> to vector<1x16x512xf32>
    %swap3A = arith.constant 0 : index
    %swap3A_21 = arith.constant 0 : index
    %swap3A_22 = arith.constant 0 : index
    %swap3A_23 = vector.load %arg6[%swap3A, %swap3A_21, %swap3A_22] : memref<1x16x512xf32, #tpu.memory_space<vmem>>, vector<1x16x512xf32>
    tpu.vector_store %arg6[%swap3A, %swap3A_21, %swap3A_22], %reshape3A {strides = array<i32>} : memref<1x16x512xf32, #tpu.memory_space<vmem>>, vector<1x16x512xf32>,
    return
  }
  func.func @transform_0(%arg0: i32) -> (i32, i32) {
    %c0_i32 = arith.constant 0 : i32
    %c0_i32_0 = arith.constant 0 : i32
    return %arg0, %c0_i32 : i32, i32
  }
  func.func @transform_1(%arg0: i32) -> (i32, i32) {
    %c0_i32 = arith.constant 0 : i32
    %c0_i32_0 = arith.constant 0 : i32
    return %arg0, %c0_i32 : i32, i32
  }
  func.func @transform_2(%arg0: i32) -> (i32, i32) {
    %c0_i32 = arith.constant 0 : i32
    %c0_i32_0 = arith.constant 0 : i32
    %c0_i32_1 = arith.constant 0 : i32
    return %c0_i32, %c0_i32_0 : i32, i32
  }
  func.func @transform_3(%arg0: i32) -> (i32, i32) {
    %c0_i32 = arith.constant 0 : i32
    %c0_i32_0 = arith.constant 0 : i32
    %c0_i32_1 = arith.constant 0 : i32
    return %c0_i32, %c0_i32_0 : i32, i32
  }
  func.func @transform_4(%arg0: i32) -> (i32, i32) {
    %c0_i32 = arith.constant 0 : i32
    %c0_i32_0 = arith.constant 0 : i32
    %c0_i32_1 = arith.constant 0 : i32
    return %c0_i32, %c0_i32_0 : i32, i32
  }
  func.func @transform_5(%arg0: i32) -> (i32, i32, i32) {
    %c0_i32 = arith.constant 0 : i32
    %c0_i32_0 = arith.constant 0 : i32
    %c0_i32_1 = arith.constant 0 : i32
    return %arg0, %c0_i32, %c0_i32_0 : i32, i32, i32
  }
}

module attributes {stable_mosaic.version = 14 : i64} {
  func.func @_cast_kernel(%arg0: i32, %arg1: memref<256x2048xf32, #tpu.memory_space<vmem>>, %arg2: memref<256x2048xbf16, #tpu.memory_space<vmem>>) attributes {dimension_semantics = [#tpu.dimension_semantics<arbitrary>], iteration_bounds = array<i64: 8>, scalar_prefetch = 0 : i64, scratch_operands = 0 : i64, tpu.core_type = #tpu.core_type<tc>, window_params = [{transform_indices = @transform_0, window_bounds = array<i64: 256, 2048>}, {transform_indices = @transform_1, window_bounds = array<i64: 256, 2048>}]} {
    %get3A = arith.constant 0 : index
    %get3A_0 = arith.constant 0 : index
    %get3A_1 = vector.load %arg1[%get3A, %get3A_0] : memref<256x2048xf32, #tpu.memory_space<vmem>>, vector<256x2048xf32>
    %convert_element_type3A = arith.truncf %get3A_1 : vector<256x2048xf32> to vector<256x2048xbf16>
    %swap3A = arith.constant 0 : index
    %swap3A_2 = arith.constant 0 : index
    %swap3A_3 = vector.load %arg2[%swap3A, %swap3A_2] : memref<256x2048xbf16, #tpu.memory_space<vmem>>, vector<256x2048xbf16>
    tpu.vector_store %arg2[%swap3A, %swap3A_2], %convert_element_type3A {strides = array<i32>} : memref<256x2048xbf16, #tpu.memory_space<vmem>>, vector<256x2048xbf16>,
    return
  }
  func.func @transform_0(%arg0: i32) -> (i32, i32) {
    %c0_i32 = arith.constant 0 : i32
    %c0_i32_0 = arith.constant 0 : i32
    return %arg0, %c0_i32 : i32, i32
  }
  func.func @transform_1(%arg0: i32) -> (i32, i32) {
    %c0_i32 = arith.constant 0 : i32
    %c0_i32_0 = arith.constant 0 : i32
    return %arg0, %c0_i32 : i32, i32
  }
}

</mosaic_0001>

<sc_bundles>
// kernel: kernel.5.cloned.1.call-start
scs
__scs_entry_jumppad:
0x0: {  	(pc) =	sbr.rel $0x88, $3  }
0x1: {  	(tag) =	ssettag $0x0;
	lr =	simm.s32 $0x1  }
0x2: {  	[smem:$0x3F9C] =	sst lr;
	_ =	strace $0xD0000000  }
0x3: {  	_ = 	snop  }
0x4: {  	_ = 	snop  }
0x5: {  	_ = 	snop  }
0x6: {  	_ = 	snop  }
0x7: {  	_ = 	snop  }
__scs_overlays_trampoline_lowered:
0x8: {  	[smem:$0x3FAB] =	sst s0  }
0x9: {  	[smem:$0x3FAC] =	sst s1  }
0xa: {  	[smem:$0x3FAD] =	sst s2  }
0xb: {  	[smem:$0x3FAE] =	sst s3  }
0xc: {  	[smem:$0x3FAF] =	sst s4  }
0xd: {  	[smem:$0x3FB0] =	sst s5  }
0xe: {  	[smem:$0x3FB1] =	sst s6  }
0xf: {  	[smem:$0x3FB2] =	sst s7  }
0x10: {  	[smem:$0x3FB3] =	sst s8  }
0x11: {  	[smem:$0x3FB4] =	sst s9;
	s0 =	simm.s32 @!p0 $0x0  }
0x12: {  	s1 =	sld [smem:$0x3F9A];
	s0 =	simm.s32 @p0 $0x1  }
0x13: {  	[smem:$0x3FB5] =	sst s0;
	s0 =	simm.s32 @!p1 $0x0  }
0x14: {  	s2 =	sld [smem:$0x3F99];
	s0 =	simm.s32 @p1 $0x1  }
0x15: {  	[smem:$0x3FB6] =	sst s0;
	s0 =	simm.s32 @!p2 $0x0  }
0x16: {  	s3 =	sld [smem:$0x3FDB];
	s0 =	simm.s32 @p2 $0x1  }
0x17: {  	s4 =	simm.s32 $0x1BF5;
	[smem:$0x3FB8] =	sst s0  }
0x18: {  	s0 =	sld [smem:$0x3F9B];
	_ =	swait.ge [sflag:s4], $0x0  }
0x19: {  	s7 =	sld [smem:$0x3F9C]  }
0x1a: {  	s8 =	sadd.s32 $0xFFFFE003, lr  }
0x1b: {  	s9 =	sadd.s32 $0xFFFFFEF7, lr;
	s5 =	simm.s32 $0xFFFFFFFF;
	p2 =	slt.u32 s8, $0xFFFFF086  }
0x1c: {  	p1 =	slt.u32 s9, $0xF7A;
	s5 =	simm.s32 @!p2 $0x0  }
0x1d: {  	s5 =	simm.s32 @p1 $0x1;
	p0 =	seq.s32 s7, s2  }
0x1e: {  	s7 =	smul.u32 @!p0 $0xF7A, s2;
	p2 =	seq.s32 @!p0 s5, $0x0  }
0x1f: {  	s9 =	smul.u32 $0xF7A, s1;
	s8 =	simm.s32 @!p0 $0x1BF5;
	p2 =	por !p2, p0  }
0x20: {  	[sflag:s8] =	ssyncset.s32 @!p0 $0xFFFFF086;
	s6 =	sadd.s32 @!p0 s3, s7;
	s7 =	simm.s32 @!p0 $0x108  }
0x21: {  	s3 =	sadd.s32 s3, s9;
	s6 =	sadd.s32 @!p0 $0x88, s6;
	s7 =	simm.s32 @p2 $0x1082  }
0x22: {  	[simem:s7], [sflag:s8] =	dma.local @!p0 [hbm:s6], $0xF7A  }
0x23: {  	s9 =	sor.u32 $0xD0000000, s2;
	s6 =	simm.s32 $0x108;
	_ =	swait.ge @!p0 [sflag:s8], $0x0  }
0x24: {  	s3 =	sadd.s32 $0x88, s3;
	s6 =	simm.s32 @!p1 $0x1082;
	[sflag:s4] =	ssyncset.s32 $0xFFFFF086  }
0x25: {  	[simem:s6], [sflag:s4] =	dma.local [hbm:s3], $0xF7A  }
0x26: {  	[smem:$0x3F9C] =	sst s1;
	(tag) =	ssettag s2;
	_ =	strace s9  }
0x27: {  	s1 =	sld [smem:$0x3FAC]  }
0x28: {  	s2 =	sld [smem:$0x3FAD]  }
0x29: {  	s4 =	sld [smem:$0x3FAF]  }
0x2a: {  	p0 =	seq.s32 s5, $0x0;
	s5 =	sld [smem:$0x3FB0]  }
0x2b: {  	s6 =	sld [smem:$0x3FB1]  }
0x2c: {  	s7 =	sld [smem:$0x3FB2]  }
0x2d: {  	s3 =	simm.s32 $0x108;
	s8 =	sld [smem:$0x3FB3]  }
0x2e: {  	s3 =	simm.s32 @!p0 $0x1082;
	s9 =	sld [smem:$0x3FB4]  }
0x2f: {  	lr =	sadd.s32 s0, s3;
	s0 =	sld [smem:$0x3FAB]  }
0x30: {  	s3 =	sld [smem:$0x3FAE]  }
0x31: {  	[smem:$0x3FB7] =	sst s10  }
0x32: {  	s10 =	sld [smem:$0x3FB5];
	_ =	sdelay $0x3  }
0x33: {  	p0 =	seq.s32 s10, $0x1;
	s10 =	sld [smem:$0x3FB7];
	_ =	sdelay $0x3  }
0x34: {  	[smem:$0x3FB7] =	sst s10  }
0x35: {  	s10 =	sld [smem:$0x3FB6];
	_ =	sdelay $0x3  }
0x36: {  	p1 =	seq.s32 s10, $0x1;
	s10 =	sld [smem:$0x3FB7];
	_ =	sdelay $0x3  }
0x37: {  	[smem:$0x3FB7] =	sst s10  }
0x38: {  	s10 =	sld [smem:$0x3FB8]  }
0x39: {  	_ = 	snop;
	(pc) =	sbr.ind lr, $3  }
0x3a: {  	_ = 	snop  }
0x3b: {  	_ = 	snop  }
0x3c: {  	p2 =	seq.s32 s10, $0x1;
	s10 =	sld [smem:$0x3FB7]  }
0x3d: {  	_ =	shalt  }
0x3e: {  	_ =	shalt  }
0x3f: {  	_ =	shalt  }
0x40: {  	_ =	shalt  }
0x41: {  	_ =	shalt  }
0x42: {  	_ =	shalt  }
0x43: {  	_ =	shalt  }
0x44: {  	_ =	shalt  }
0x45: {  	_ =	shalt  }
0x46: {  	_ =	shalt  }
0x47: {  	_ =	shalt  }
0x48: {  	_ =	shalt  }
0x49: {  	_ =	shalt  }
0x4a: {  	_ =	shalt  }
0x4b: {  	_ =	shalt  }
0x4c: {  	_ =	shalt  }
0x4d: {  	_ =	shalt  }
0x4e: {  	_ =	shalt  }
0x4f: {  	_ =	shalt  }
0x50: {  	_ =	shalt  }
0x51: {  	_ =	shalt  }
0x52: {  	_ =	shalt  }
0x53: {  	_ =	shalt  }
0x54: {  	_ =	shalt  }
0x55: {  	_ =	shalt  }
0x56: {  	_ =	shalt  }
0x57: {  	_ =	shalt  }
0x58: {  	_ =	shalt  }
0x59: {  	_ =	shalt  }
0x5a: {  	_ =	shalt  }
0x5b: {  	_ =	shalt  }
0x5c: {  	_ =	shalt  }
0x5d: {  	_ =	shalt  }
0x5e: {  	_ =	shalt  }
0x5f: {  	_ =	shalt  }
0x60: {  	_ =	shalt  }
0x61: {  	_ =	shalt  }
0x62: {  	_ =	shalt  }
0x63: {  	_ =	shalt  }
0x64: {  	_ =	shalt  }
0x65: {  	_ =	shalt  }
0x66: {  	_ =	shalt  }
0x67: {  	_ =	shalt  }
0x68: {  	_ =	shalt  }
0x69: {  	_ =	shalt  }
0x6a: {  	_ =	shalt  }
0x6b: {  	_ =	shalt  }
0x6c: {  	_ =	shalt  }
0x6d: {  	_ =	shalt  }
0x6e: {  	_ =	shalt  }
0x6f: {  	_ =	shalt  }
0x70: {  	_ =	shalt  }
0x71: {  	_ =	shalt  }
0x72: {  	_ =	shalt  }
0x73: {  	_ =	shalt  }
0x74: {  	_ =	shalt  }
0x75: {  	_ =	shalt  }
0x76: {  	_ =	shalt  }
0x77: {  	_ =	shalt  }
0x78: {  	_ =	shalt  }
0x79: {  	_ =	shalt  }
0x7a: {  	_ =	shalt  }
0x7b: {  	_ =	shalt  }
0x7c: {  	_ =	shalt  }
0x7d: {  	_ =	shalt  }
0x7e: {  	_ =	shalt  }
0x7f: {  	_ =	shalt  }
0x80: {  	_ =	shalt  }
0x81: {  	_ =	shalt  }
0x82: {  	_ =	shalt  }
0x83: {  	_ =	shalt  }
0x84: {  	_ =	shalt  }
0x85: {  	_ =	shalt  }
0x86: {  	_ =	shalt  }
0x87: {  	_ =	shalt  }
.Lfunc_end0:
.L_simem_size_0:
called_computation_lowered:
.L_overlay_start_0:
0x88: {  	s2 =	sld [smem:$0x3FD9]  }
0x89: {  	s3 =	sld [smem:$0x3FFE];
	_ =	sdelay $0x1  }
0x8a: {  	s1 =	srdreg.scid  }
0x8b: {  	s0 =	sand.u32 $0x1, s1  }
0x8c: {  	s14 =	sshll.u32 s0, $0xA;
	s2 =	sadd.s32 s3, s2  }
0x8d: {  	s2 =	sadd.s32 s2, s14  }
0x8e: {  	[smem:$0x3FC3] =	sst s2  }
0x8f: {  	_ = 	snop  }
0x90: {  	s2 =	sld [smem:$0x3FD0];
	_ =	sdelay $0x2  }
0x91: {  	s15 =	simm.s32 $0xA;
	s4 =	simm.s32 $0x10  }
0x92: {  	[smem:s4], [sflag:s15] =	dma.local [hbm:s2], $0x1  }
0x93: {  	_ =	swait.eq [sflag:s15], $0x1  }
0x94: {  	[sflag:s15] =	ssyncset.done $0x0  }
0x95: {  	[sflag:s15] =	ssyncadd.s32 $0xFFFFFFFF  }
0x96: {  	s16 =	sld [smem:$0x11];
	(tm) =	ssettm $0x1  }
0x97: {  	s17 =	sld [smem:$0x3FFB];
	_ =	sdelay $0x3  }
0x98: {  	_ =	strace s17  }
0x99: {  	s3 =	sld [smem:$0x3FFC];
	_ =	sdelay $0x3  }
0x9a: {  	_ =	strace s3  }
0x9b: {  	s3 =	sld [smem:$0x3FFD];
	_ =	sdelay $0x3  }
0x9c: {  	_ =	strace s3  }
0x9d: {  	_ =	strace $0x8FFFFFFF  }
0x9e: {  	s18 =	sld [smem:$0x3FDB];
	_ =	sdelay $0x1  }
0x9f: {  	s19 =	simm.s32 $_scs_section_size  }
0xa0: {  	s5 =	simm.s32 $_size__tile_overlayer_lowered;
	s6 =	simm.s32 $_tile_overlayer_lowered  }
0xa1: {  	s22 =	simm.s32 $0x1BFF;
	s21 =	sshll.u32 s6, $0x1;
	s3 =	sadd.s32 s19, s18  }
0xa2: {  	s7 =	simm.s32 $0x0;
	s20 =	sshll.u32 s5, $0x1;
	s5 =	sadd.s32 s21, s3  }
0xa3: {  	[timem:s7], [sflag:s22] =	dma.local [hbm:s5], s20  }
0xa4: {  	_ =	swait.ge [sflag:s22], s20  }
0xa5: {  	s4 =	ssub.s32 $0x0, s20;
	[sflag:s22] =	ssyncset.done $0x0  }
0xa6: {  	[sflag:s22] =	ssyncadd.s32 s4;
	_ =	sdelay $0x1  }
0xa7: {  	s23 =	simm.s32 $0x1B8B  }
0xa8: {  	_ =	swait.ge [sflag:s23], $0x1  }
0xa9: {  	[sflag:s23] =	ssyncset.done $0x0  }
0xaa: {  	s25 =	simm.s32 $0x1B8E;
	s24 =	sld [smem:$0x3FFE];
	[sflag:s23] =	ssyncadd.s32 $0xFFFFFFFF  }
0xab: {  	s26 =	simm.s32 $execute0_lowered;
	[smem:$0x3FD2] =	sst s25  }
0xac: {  	s5 =	sshll.u32 s26, $0x1;
	_ =	strace $0x80000046;
	[dreg:$0x1] =	wrdreg $0xFFFFFFFF  }
0xad: {  	s28 =	simm.s32 $_size_execute0_lowered;
	s3 =	sadd.s32 s3, s5;
	[dreg:$0x0] =	wrdreg $0x0  }
0xae: {  	s5 =	sshll.u32 s28, $0x1;
	[dreg:$0x2] =	wrdreg s3  }
0xaf: {  	[dreg:$0x3] =	wrdreg s5  }
0xb0: {  	[dreg:$0x4] =	wrdreg $0xC0  }
0xb1: {  	_ =	task [dreg:s7], $0x5FFFF  }
0xb2: {  	[dreg:$0x1] =	wrdreg $0xFFFFFFFF  }
0xb3: {  	[dreg:$0x0] =	wrdreg $0x60  }
0xb4: {  	[dreg:$0x2] =	wrdreg s24  }
0xb5: {  	[dreg:$0x3] =	wrdreg s16  }
0xb6: {  	[dreg:$0x4] =	wrdreg $0x9  }
0xb7: {  	_ =	task.clear_ibuf [dreg:s7], $0x5FFFF;
	_ =	strace $0x90000046  }
0xb8: {  	s29 =	simm.s32 $0x9;
	_ =	strace $0x80000048  }
0xb9: {  	_ =	swait.ge [sflag:s29], $0x1  }
0xba: {  	[sflag:s29] =	ssyncadd.s32 $0xFFFFFFFF  }
0xbb: {  	_ =	strace $0x90000048  }
0xbc: {  	_ =	sfence  }
0xbd: {  	s30 =	sld [smem:$0x0];
	_ =	sdelay $0x2  }
0xbe: {  	s31 =	sshll.u32 s1, $0xD;
	s1 =	sshrl.u32 s1, $0x2  }
0xbf: {  	s3 =	sand.u32 $0x4000, s31;
	s1 =	sadd.s32 s1, s30  }
0xc0: {  	s0 =	sor.u32 s3, s0;
	s1 =	sshll.u32 s1, $0x11  }
0xc1: {  	s0 =	sor.u32 s1, s0  }
0xc2: {  	s0 =	sadd.s32 $0x8F2B, s0  }
0xc3: {  	[sflag:s0] =	ssyncadd.remote.s32 $0x1  }
0xc4: {  	_ =	sfence.sel $0xFFFF  }
0xc5: {  	[dreg:$0x0] =	wrdreg $0xFFFFFFFF;
	(pc) =	sbr.abs _section_cstart, $3  }
0xc6: {  	[dreg:$0x1] =	wrdreg $0xFFFFFFFF  }
0xc7: {  	_ =	task.clear_ibuf [dreg:s7], $0x2FFFF;
	_ =	strace $0x9FFFFFFF  }
0xc8: {  	(tm) =	ssettm $0x7FFFFFFF  }
0xc9: {  	_ =	shalt  }
tec
execute0_lowered:
.L_overlay_start_1:
0x0: {  	(tag) =	ssettag $0x1  }
0x1: {  	s3 =	rddreg [dreg:$0x0]  }
0x2: {  	s4 =	rddreg [dreg:$0x1]  }
0x3: {  	s0 =	rddreg [dreg:$0x2]  }
0x4: {  	s2 =	simm.s32 $0x0;
	s5 =	srdreg.scid;
	s1 =	stileid.u32  }
0x5: {  	s10 =	simm.s32 $0x2000;
	s11 =	simm.s32 $0x2200;
	s12 =	simm.s32 $0x2400  }
0x6: {  	s13 =	simm.s32 $0x2600;
	s5 =	sand.u32 $0x1, s5;
	s6 =	sshll.u32 s1, $0x1  }
0x7: {  	s14 =	simm.s32 $0x0;
	[smem:$0x7FF] =	sst s2;
	s6 =	sor.u32 s5, s6  }
0x8: {  	_ =	strace $0x80000047;
	s5 =	ssub.s32 $0x2, s5;
	s7 =	sshll.u32 s6, $0xA  }
0x9: {  	s6 =	sshll.u32 s6, $0x6;
	s8 =	sshrl.u32 s5, $0x1;
	s7 =	sadd.s32 s7, s3  }
0xa: {  	s9 =	sadd.s32 s6, s3;
	s8 =	ssub.s32 s5, s8;
	s4 =	sadd.s32 s4, s6  }
0xb: {  	s3 =	sadd.s32 $0xE00, s7;
	s5 =	sadd.s32 $0x8E00, s9;
	s6 =	sadd.s32 $0x9600, s9  }
0xc: {  	v0 =	vimm.s32 $0x10;
	s7 =	sadd.s32 $0x9E00, s9;
	s8 =	smax.u32 s8, $0x1;
	s9 =	simm.s32 $0x1  }
.LBB2_1:
0xd: {  	[tilespmem:s2], [sflag:$0x1] =	stream.linear.gather [hbm4b:s3+s2], $0x2000, $0x38;
	[tilespmem:$0x2800] =	vst v63  }
0xe: {  	_ =	swait.ge [sflag:s9], $0x2000  }
0xf: {  	s15 =	sand.u32 $0x70, s2;
	s16 =	sand.u32 $0xC00, s2;
	[sflag:s9] =	ssyncset.done $0x0  }
0x10: {  	s15 =	sor.u32 s15, s16;
	[sflag:s9] =	ssyncadd.s32 $0xFFFFE000  }
0x11: {  	v16 =	vld [tilespmem:s15+$0x0]  }
0x12: {  	v17 =	vld [tilespmem:s15+$0x80]  }
0x13: {  	v14 =	vld [tilespmem:s15+$0x100]  }
0x14: {  	v15 =	vld [tilespmem:s15+$0x180]  }
0x15: {  	v12 =	vld [tilespmem:s15+$0x200]  }
0x16: {  	v13 =	vld [tilespmem:s15+$0x280]  }
0x17: {  	v18 =	vld [tilespmem:s15+$0x300];
	v1 =	vmax.f32 v16, v17  }
0x18: {  	v11 =	vld [tilespmem:s15+$0x380];
	v1 =	vmax.f32 v1, v14  }
0x19: {  	v10 =	vld [tilespmem:s15+$0x1000];
	v1 =	vmax.f32 v1, v15  }
0x1a: {  	v9 =	vld [tilespmem:s15+$0x1080];
	v1 =	vmax.f32 v1, v12  }
0x1b: {  	v8 =	vld [tilespmem:s15+$0x1100];
	v1 =	vmax.f32 v1, v13  }
0x1c: {  	v7 =	vld [tilespmem:s15+$0x1180];
	v1 =	vmax.f32 v1, v18  }
0x1d: {  	v6 =	vld [tilespmem:s15+$0x1200];
	v1 =	vmax.f32 v1, v11  }
0x1e: {  	v5 =	vld [tilespmem:s15+$0x1280];
	v1 =	vmax.f32 v1, v10  }
0x1f: {  	v4 =	vld [tilespmem:s15+$0x1300];
	v1 =	vmax.f32 v1, v9  }
0x20: {  	v2 =	vld [tilespmem:s15+$0x1380];
	v1 =	vmax.f32 v1, v8  }
0x21: {  	v1 =	vmax.f32 v1, v7  }
0x22: {  	v1 =	vmax.f32 v1, v6  }
0x23: {  	v1 =	vmax.f32 v1, v5  }
0x24: {  	v1 =	vmax.f32 v1, v4  }
0x25: {  	v3 =	vmax.f32 v1, v2  }
0x26: {  	vm0 =	veq.f32 v14, v3;
	v1 =	vsub.f32 v16, v3  }
0x27: {  	vm2 =	veq.f32 v10, v3;
	v19 =	vsub.f32 v14, v3;
	v20 =	vsub.f32 v15, v3  }
0x28: {  	vm4 =	veq.f32 v7, v3;
	vm3 =	veq.f32 v9, v3;
	v21 =	vsub.f32 v6, v3  }
0x29: {  	v22 =	vsub.f32 v10, v3;
	vm5 =	veq.f32 v4, v3;
	v23 =	vsub.f32 v17, v3  }
0x2a: {  	vm1 =	veq.f32 v15, v3;
	vm6 =	veq.f32 v5, v3;
	vm7 =	veq.f32 v2, v3  }
0x2b: {  	vm8 =	veq.f32 v6, v3;
	v24 =	vsub.f32 v13, v3;
	vm15 =	veq.f32 v8, v3  }
0x2c: {  	vm12 =	veq.f32 v11, v3;
	v33 =	vsub.f32 v18, v3;
	vm13 =	veq.f32 v18, v3  }
0x2d: {  	vm14 =	veq.f32 v13, v3;
	v36 =	vsub.f32 v11, v3;
	v1 =	vmul.f32 $1.442695020e+00, v1  }
0x2e: {  	v39 =	vsub.f32 v9, v3;
	v25 =	vsub.f32 v8, v3;
	v20 =	vmul.f32 $1.442695020e+00, v20  }
0x2f: {  	v26 =	vsub.f32 v7, v3;
	v23 =	vmul.f32 $1.442695020e+00, v23;
	(erf) = vpow2.f32 v1  }
0x30: {  	v31 =	vsel vm7, $0xF, v0;
	v1 =	vsub.f32 v12, v3;
	(erf) = vpow2.f32 v20  }
0x31: {  	v19 =	vmul.f32 $1.442695020e+00, v19;
	v20 =	vsel vm5, $0xE, v31;
	(erf) = vpow2.f32 v23  }
0x32: {  	v45 =	vsub.f32 v5, v3;
	v1 =	vmul.f32 $1.442695020e+00, v1;
	v20 =	vsel vm6, $0xD, v20  }
0x33: {  	v46 =	vsub.f32 v4, v3;
	(erf) = vpow2.f32 v19;
	v34 =	vsel vm8, $0xC, v20  }
0x34: {  	v52 =	vsub.f32 v2, v3;
	(erf) = vpow2.f32 v1;
	v1 =	vsel vm4, $0xB, v34  }
0x35: {  	v32 =	vmul.f32 $1.442695020e+00, v24;
	v35 =	vmul.f32 $1.442695020e+00, v33;
	v1 =	vsel vm15, $0xA, v1  }
0x36: {  	v37 =	vmul.f32 $1.442695020e+00, v36;
	v22 =	vmul.f32 $1.442695020e+00, v22;
	v1 =	vsel vm3, $0x9, v1  }
0x37: {  	v41 =	vmul.f32 $1.442695020e+00, v39;
	v43 =	vmul.f32 $1.442695020e+00, v25;
	v1 =	vsel vm2, $0x8, v1  }
0x38: {  	v26 =	vmul.f32 $1.442695020e+00, v26;
	v21 =	vmul.f32 $1.442695020e+00, v21;
	v1 =	vsel vm12, $0x7, v1;
	v38 =	vpop (erf)  }
0x39: {  	v48 =	vmul.f32 $1.442695020e+00, v45;
	(erf) = vpow2.f32 v32;
	v1 =	vsel vm13, $0x6, v1;
	v40 =	vpop (erf)  }
0x3a: {  	vm15 =	veq.f32 v12, v3;
	(erf) = vpow2.f32 v35;
	v1 =	vsel vm14, $0x5, v1;
	v42 =	vpop (erf)  }
0x3b: {  	(erf) = vpow2.f32 v37;
	v1 =	vsel vm15, $0x4, v1;
	v20 =	vadd.f32 v42, v38  }
0x3c: {  	vm2 =	veq.f32 v17, v3;
	v44 =	vpop (erf);
	v1 =	vsel vm1, $0x3, v1;
	(erf) = vpow2.f32 v43  }
0x3d: {  	v1 =	vsel vm0, $0x2, v1;
	(erf) = vpow2.f32 v26;
	v20 =	vadd.f32 v20, v44  }
0x3e: {  	vm3 =	veq.f32 v16, v3;
	v47 =	vpop (erf);
	(erf) = vpow2.f32 v22;
	v1 =	vsel vm2, $0x1, v1  }
0x3f: {  	(erf) = vpow2.f32 v41;
	v1 =	vsel vm3, $0x0, v1;
	v20 =	vadd.f32 v20, v40  }
0x40: {  	v50 =	vmul.f32 $1.442695020e+00, v46;
	(erf) = vpow2.f32 v21;
	vm0 =	veq.s32 v1, $0x0  }
0x41: {  	v21 =	vmul.f32 $1.442695020e+00, v52;
	vm1 =	veq.s32 v1, $0x3;
	v49 =	vadd.f32 v20, v47  }
0x42: {  	v51 =	vpop (erf);
	(erf) = vpow2.f32 v48;
	v16 =	vsel vm0, $0xFF61B1E6, v16;
	vm0 =	veq.s32 v1, $0x1  }
0x43: {  	v15 =	vsel vm1, $0xFF61B1E6, v15;
	vm1 =	veq.s32 v1, $0x4;
	v19 =	vadd.f32 v49, v51  }
0x44: {  	v53 =	vpop (erf);
	(erf) = vpow2.f32 v50;
	v17 =	vsel vm0, $0xFF61B1E6, v17;
	vm0 =	veq.s32 v1, $0x6  }
0x45: {  	v54 =	vpop (erf);
	v12 =	vsel vm1, $0xFF61B1E6, v12;
	vm1 =	veq.s32 v1, $0x8;
	v19 =	vadd.f32 v19, v53  }
0x46: {  	v18 =	vsel vm0, $0xFF61B1E6, v18;
	v55 =	vmax.f32 v16, v17;
	vm0 =	veq.s32 v1, $0x2;
	v56 =	vpop (erf)  }
0x47: {  	v14 =	vsel vm0, $0xFF61B1E6, v14;
	vm0 =	veq.s32 v1, $0x5;
	v57 =	vpop (erf);
	v19 =	vadd.f32 v19, v54  }
0x48: {  	v10 =	vsel vm1, $0xFF61B1E6, v10;
	v13 =	vsel vm0, $0xFF61B1E6, v13;
	v20 =	vmax.f32 v55, v14;
	v58 =	vpop (erf)  }
0x49: {  	vm0 =	veq.s32 v1, $0x7;
	v20 =	vmax.f32 v20, v15;
	v19 =	vadd.f32 v19, v58  }
0x4a: {  	vm1 =	veq.s32 v1, $0xB;
	v11 =	vsel vm0, $0xFF61B1E6, v11;
	v20 =	vmax.f32 v20, v12;
	v59 =	vpop (erf)  }
0x4b: {  	vm0 =	veq.s32 v1, $0x9;
	v20 =	vmax.f32 v20, v13;
	v19 =	vadd.f32 v19, v59  }
0x4c: {  	(erf) = vpow2.f32 v21;
	v9 =	vsel vm0, $0xFF61B1E6, v9;
	v20 =	vmax.f32 v20, v18  }
0x4d: {  	vm0 =	veq.s32 v1, $0xA;
	v20 =	vmax.f32 v20, v11;
	v19 =	vadd.f32 v19, v56  }
0x4e: {  	v7 =	vsel vm1, $0xFF61B1E6, v7;
	v8 =	vsel vm0, $0xFF61B1E6, v8;
	v20 =	vmax.f32 v20, v10  }
0x4f: {  	vm0 =	veq.s32 v1, $0xC;
	v20 =	vmax.f32 v20, v9;
	v19 =	vadd.f32 v19, v57  }
0x50: {  	vm1 =	veq.s32 v1, $0xE;
	v60 =	vpop (erf);
	v6 =	vsel vm0, $0xFF61B1E6, v6;
	v20 =	vmax.f32 v20, v8  }
0x51: {  	vm0 =	veq.s32 v1, $0xD;
	v20 =	vmax.f32 v20, v7;
	v19 =	vadd.f32 v19, v60  }
0x52: {  	v4 =	vsel vm1, $0xFF61B1E6, v4;
	v61 =	vpop (erf);
	v5 =	vsel vm0, $0xFF61B1E6, v5;
	v20 =	vmax.f32 v20, v6  }
0x53: {  	vm0 =	veq.s32 v1, $0xF;
	v20 =	vmax.f32 v20, v5;
	v19 =	vadd.f32 v19, v61  }
0x54: {  	v62 =	vpop (erf);
	v2 =	vsel vm0, $0xFF61B1E6, v2;
	v20 =	vmax.f32 v20, v4  }
0x55: {  	v20 =	vmax.f32 v20, v2;
	v19 =	vadd.f32 v19, v62  }
0x56: {  	v63 =	vpop (erf);
	v3 =	vsub.f32 v20, v3  }
0x57: {  	v19 =	vadd.f32 v19, v63  }
0x58: {  	v3 =	vmul.f32 $1.442695020e+00, v3  }
0x59: {  	vm0 =	veq.f32 v2, v20;
	(erf) = vrcp.f32 v19  }
0x5a: {  	vm1 =	veq.f32 v4, v20;
	v2 =	vsel vm0, $0xF, v0;
	(erf) = vpow2.f32 v3  }
0x5b: {  	vm0 =	veq.f32 v5, v20;
	v2 =	vsel vm1, $0xE, v2  }
0x5c: {  	vm1 =	veq.f32 v6, v20;
	v2 =	vsel vm0, $0xD, v2  }
0x5d: {  	vm0 =	veq.f32 v7, v20;
	v2 =	vsel vm1, $0xC, v2  }
0x5e: {  	vm1 =	veq.f32 v8, v20;
	v2 =	vsel vm0, $0xB, v2  }
0x5f: {  	v2 =	vsel vm1, $0xA, v2;
	_ =	sdelay $0x1  }
0x60: {  	vm0 =	veq.f32 v9, v20  }
0x61: {  	vm1 =	veq.f32 v10, v20;
	v3 =	vsel vm0, $0x9, v2;
	v2 =	vpop (erf)  }
0x62: {  	vm0 =	veq.f32 v11, v20;
	v3 =	vsel vm1, $0x8, v3;
	v4 =	vpop (erf)  }
0x63: {  	v5 =	vsel vm0, $0x7, v3;
	v3 =	vmul.f32 v4, v2  }
0x64: {  	vm1 =	veq.f32 v18, v20  }
0x65: {  	v4 =	vsel vm1, $0x6, v5;
	v5 =	vadd.f32 v3, v2  }
0x66: {  	vm0 =	veq.f32 v13, v20  }
0x67: {  	vm1 =	veq.f32 v12, v20;
	v4 =	vsel vm0, $0x5, v4;
	v5 =	vadd.f32 $9.999999740e-06, v5  }
0x68: {  	s17 =	simm.s32 $0x2610;
	vm0 =	veq.f32 v15, v20;
	v4 =	vsel vm1, $0x4, v4  }
0x69: {  	s18 =	simm.s32 $0x0;
	s20 =	simm.s32 $0x2000;
	s23 =	simm.s32 $0x2200;
	vm1 =	veq.f32 v14, v20;
	v4 =	vsel vm0, $0x3, v4;
	(erf) = vrcp.f32 v5  }
0x6a: {  	s19 =	simm.s32 $0x2000;
	s24 =	simm.s32 $0x2200;
	s21 =	simm.s32 $0x2400;
	vm2 =	veq.f32 v17, v20;
	v4 =	vsel vm1, $0x2, v4  }
0x6b: {  	s22 =	simm.s32 $0x2600;
	s16 =	simm.s32 $0x2410;
	s15 =	simm.s32 $0x10;
	vm0 =	veq.f32 v16, v20;
	v4 =	vsel vm2, $0x1, v4  }
.LBB2_2:
0x6c: {  	s18 =	sadd.s32 $0x80, s18;
	s20 =	sadd.s32 $0x10, s20;
	s23 =	sadd.s32 $0x10, s23  }
0x6d: {  	p0 =	sne.s32 s15, $0x1F0;
	s25 =	smov.u32 s15;
	s15 =	sadd.s32 $0x10, s15  }
0x6e: {  	_ =	sdelay $0x3  }
0x6f: {  	v5 =	vpop (erf)  }
0x70: {  	v2 =	vmul.f32 v5, v2;
	v3 =	vmul.f32 v5, v3;
	_ =	sdelay $0x1  }
0x71: {  	[tilespmem:s19+$0x0] =	vst v2;
	s19 =	smov.u32 s20  }
0x72: {  	v2 =	vsel vm0, $0x0, v4;
	[tilespmem:s24+$0x0] =	vst v3;
	s24 =	smov.u32 s23  }
0x73: {  	s25 =	sand.u32 $0x70, s25;
	s26 =	sand.u32 $0xC00, s18;
	[tilespmem:s21+$0x0] =	vst v1;
	s21 =	smov.u32 s16  }
0x74: {  	s25 =	sor.u32 s25, s26;
	[tilespmem:s22+$0x0] =	vst v2;
	s22 =	smov.u32 s17  }
0x75: {  	v15 =	vld [tilespmem:s25+$0x300]  }
0x76: {  	v12 =	vld [tilespmem:s25+$0x100]  }
0x77: {  	v18 =	vld [tilespmem:s25+$0x0]  }
0x78: {  	v17 =	vld [tilespmem:s25+$0x80]  }
0x79: {  	v16 =	vld [tilespmem:s25+$0x180]  }
0x7a: {  	v11 =	vld [tilespmem:s25+$0x200]  }
0x7b: {  	v14 =	vld [tilespmem:s25+$0x280]  }
0x7c: {  	v10 =	vld [tilespmem:s25+$0x1000]  }
0x7d: {  	v6 =	vld [tilespmem:s25+$0x1080];
	v1 =	vmax.f32 v18, v17  }
0x7e: {  	v13 =	vld [tilespmem:s25+$0x380];
	v1 =	vmax.f32 v1, v12  }
0x7f: {  	v1 =	vmax.f32 v1, v16  }
0x80: {  	v1 =	vmax.f32 v1, v11  }
0x81: {  	v9 =	vld [tilespmem:s25+$0x1100];
	v1 =	vmax.f32 v1, v14  }
0x82: {  	v8 =	vld [tilespmem:s25+$0x1180];
	v1 =	vmax.f32 v1, v15  }
0x83: {  	v7 =	vld [tilespmem:s25+$0x1200];
	v1 =	vmax.f32 v1, v13  }
0x84: {  	v5 =	vld [tilespmem:s25+$0x1280];
	v1 =	vmax.f32 v1, v10  }
0x85: {  	v4 =	vld [tilespmem:s25+$0x1300];
	v1 =	vmax.f32 v1, v6  }
0x86: {  	v3 =	vld [tilespmem:s25+$0x1380];
	v1 =	vmax.f32 v1, v9  }
0x87: {  	v1 =	vmax.f32 v1, v8  }
0x88: {  	v1 =	vmax.f32 v1, v7  }
0x89: {  	v1 =	vmax.f32 v1, v5  }
0x8a: {  	v1 =	vmax.f32 v1, v4  }
0x8b: {  	v2 =	vmax.f32 v1, v3  }
0x8c: {  	vm0 =	veq.f32 v12, v2;
	vm2 =	veq.f32 v10, v2;
	v1 =	vsub.f32 v18, v2  }
0x8d: {  	vm4 =	veq.f32 v8, v2;
	v19 =	vsub.f32 v12, v2;
	v20 =	vsub.f32 v16, v2  }
0x8e: {  	vm3 =	veq.f32 v6, v2;
	v21 =	vsub.f32 v7, v2;
	v1 =	vmul.f32 $1.442695020e+00, v1  }
0x8f: {  	v22 =	vsub.f32 v10, v2;
	v19 =	vmul.f32 $1.442695020e+00, v19;
	v20 =	vmul.f32 $1.442695020e+00, v20  }
0x90: {  	vm5 =	veq.f32 v4, v2;
	v23 =	vsub.f32 v17, v2;
	(erf) = vpow2.f32 v1  }
0x91: {  	vm1 =	veq.f32 v16, v2;
	vm6 =	veq.f32 v5, v2;
	vm7 =	veq.f32 v3, v2  }
0x92: {  	vm8 =	veq.f32 v7, v2;
	v1 =	vsub.f32 v11, v2;
	(erf) = vpow2.f32 v20  }
0x93: {  	v24 =	vsub.f32 v14, v2;
	v23 =	vmul.f32 $1.442695020e+00, v23;
	v20 =	vsel vm7, $0xF, v0  }
0x94: {  	vm7 =	veq.f32 v9, v2;
	v1 =	vmul.f32 $1.442695020e+00, v1;
	v20 =	vsel vm5, $0xE, v20  }
0x95: {  	v24 =	vmul.f32 $1.442695020e+00, v24;
	v20 =	vsel vm6, $0xD, v20;
	(erf) = vpow2.f32 v23  }
0x96: {  	v25 =	vsub.f32 v15, v2;
	vm5 =	veq.f32 v13, v2;
	(erf) = vpow2.f32 v19  }
0x97: {  	vm6 =	veq.f32 v15, v2;
	v19 =	vsel vm8, $0xC, v20;
	(erf) = vpow2.f32 v1  }
0x98: {  	vm8 =	veq.f32 v14, v2;
	v1 =	vsel vm4, $0xB, v19;
	v19 =	vmul.f32 $1.442695020e+00, v25  }
0x99: {  	v20 =	vsub.f32 v13, v2;
	v1 =	vsel vm7, $0xA, v1;
	v23 =	vpop (erf);
	(erf) = vpow2.f32 v24  }
0x9a: {  	vm4 =	veq.f32 v11, v2;
	v1 =	vsel vm3, $0x9, v1;
	(erf) = vpow2.f32 v19  }
0x9b: {  	v1 =	vsel vm2, $0x8, v1;
	v19 =	vmul.f32 $1.442695020e+00, v20;
	v20 =	vmul.f32 $1.442695020e+00, v22;
	v22 =	vpop (erf)  }
0x9c: {  	v24 =	vsub.f32 v6, v2;
	vm2 =	veq.f32 v17, v2;
	v1 =	vsel vm5, $0x7, v1  }
0x9d: {  	v25 =	vsub.f32 v9, v2;
	v1 =	vsel vm6, $0x6, v1;
	(erf) = vpow2.f32 v19  }
0x9e: {  	v1 =	vsel vm8, $0x5, v1;
	v19 =	vmul.f32 $1.442695020e+00, v24;
	v24 =	vsub.f32 v8, v2;
	v26 =	vpop (erf)  }
0x9f: {  	v25 =	vmul.f32 $1.442695020e+00, v25;
	v1 =	vsel vm4, $0x4, v1;
	v23 =	vadd.f32 v26, v23;
	v26 =	vpop (erf)  }
0xa0: {  	vm3 =	veq.f32 v18, v2;
	v1 =	vsel vm1, $0x3, v1;
	v24 =	vmul.f32 $1.442695020e+00, v24;
	v27 =	vpop (erf)  }
0xa1: {  	v1 =	vsel vm0, $0x2, v1;
	v29 =	vadd.f32 v23, v26;
	(erf) = vpow2.f32 v25  }
0xa2: {  	v25 =	vsub.f32 v5, v2;
	v26 =	vsub.f32 v4, v2;
	v28 =	vpop (erf);
	(erf) = vpow2.f32 v24  }
0xa3: {  	v21 =	vmul.f32 $1.442695020e+00, v21;
	v22 =	vadd.f32 v29, v22;
	v23 =	vpop (erf);
	(erf) = vpow2.f32 v20  }
0xa4: {  	v1 =	vsel vm2, $0x1, v1;
	v20 =	vmul.f32 $1.442695020e+00, v25;
	(erf) = vpow2.f32 v19  }
0xa5: {  	v19 =	vadd.f32 v22, v27;
	v22 =	vmul.f32 $1.442695020e+00, v26;
	(erf) = vpow2.f32 v21  }
0xa6: {  	v1 =	vsel vm3, $0x0, v1;
	v21 =	vsub.f32 v3, v2;
	v24 =	vpop (erf);
	(erf) = vpow2.f32 v20  }
0xa7: {  	vm0 =	veq.s32 v1, $0x0;
	v19 =	vadd.f32 v19, v28;
	(erf) = vpow2.f32 v22  }
0xa8: {  	v18 =	vsel vm0, $0xFF61B1E6, v18;
	vm0 =	veq.s32 v1, $0x1;
	v20 =	vmul.f32 $1.442695020e+00, v21  }
0xa9: {  	v17 =	vsel vm0, $0xFF61B1E6, v17;
	vm0 =	veq.s32 v1, $0x6;
	v19 =	vadd.f32 v19, v23  }
0xaa: {  	vm1 =	veq.s32 v1, $0x3;
	v15 =	vsel vm0, $0xFF61B1E6, v15;
	v21 =	vmax.f32 v18, v17;
	v22 =	vpop (erf)  }
0xab: {  	v16 =	vsel vm1, $0xFF61B1E6, v16;
	vm0 =	veq.s32 v1, $0x2;
	v19 =	vadd.f32 v19, v24;
	v23 =	vpop (erf)  }
0xac: {  	v12 =	vsel vm0, $0xFF61B1E6, v12;
	vm0 =	veq.s32 v1, $0x5;
	v24 =	vpop (erf);
	(erf) = vpow2.f32 v20  }
0xad: {  	vm1 =	veq.s32 v1, $0x4;
	v14 =	vsel vm0, $0xFF61B1E6, v14;
	v19 =	vadd.f32 v19, v24;
	v20 =	vpop (erf)  }
0xae: {  	v11 =	vsel vm1, $0xFF61B1E6, v11;
	vm1 =	veq.s32 v1, $0x8;
	vm0 =	veq.s32 v1, $0x7;
	v24 =	vpop (erf)  }
0xaf: {  	v21 =	vmax.f32 v21, v12;
	v13 =	vsel vm0, $0xFF61B1E6, v13;
	v19 =	vadd.f32 v19, v20;
	v20 =	vpop (erf)  }
0xb0: {  	v10 =	vsel vm1, $0xFF61B1E6, v10;
	vm0 =	veq.s32 v1, $0x9;
	v21 =	vmax.f32 v21, v16;
	v25 =	vpop (erf)  }
0xb1: {  	v6 =	vsel vm0, $0xFF61B1E6, v6;
	v21 =	vmax.f32 v21, v11;
	v19 =	vadd.f32 v19, v22  }
0xb2: {  	vm1 =	veq.s32 v1, $0xB;
	vm0 =	veq.s32 v1, $0xA;
	v21 =	vmax.f32 v21, v14  }
0xb3: {  	v9 =	vsel vm0, $0xFF61B1E6, v9;
	v21 =	vmax.f32 v21, v15;
	v19 =	vadd.f32 v19, v23  }
0xb4: {  	v8 =	vsel vm1, $0xFF61B1E6, v8;
	vm0 =	veq.s32 v1, $0xC;
	v21 =	vmax.f32 v21, v13  }
0xb5: {  	v7 =	vsel vm0, $0xFF61B1E6, v7;
	v21 =	vmax.f32 v21, v10;
	v19 =	vadd.f32 v19, v24;
	v22 =	vpop (erf)  }
0xb6: {  	vm1 =	veq.s32 v1, $0xE;
	vm0 =	veq.s32 v1, $0xD;
	v21 =	vmax.f32 v21, v6  }
0xb7: {  	v5 =	vsel vm0, $0xFF61B1E6, v5;
	v21 =	vmax.f32 v21, v9;
	v19 =	vadd.f32 v19, v20  }
0xb8: {  	v4 =	vsel vm1, $0xFF61B1E6, v4;
	vm0 =	veq.s32 v1, $0xF;
	v20 =	vmax.f32 v21, v8  }
0xb9: {  	v3 =	vsel vm0, $0xFF61B1E6, v3;
	v20 =	vmax.f32 v20, v7;
	v19 =	vadd.f32 v19, v25  }
0xba: {  	v20 =	vmax.f32 v20, v5  }
0xbb: {  	v20 =	vmax.f32 v20, v4;
	v19 =	vadd.f32 v19, v22  }
0xbc: {  	v20 =	vmax.f32 v20, v3  }
0xbd: {  	vm0 =	veq.f32 v7, v20;
	vm1 =	veq.f32 v3, v20;
	v2 =	vsub.f32 v20, v2  }
0xbe: {  	vm2 =	veq.f32 v5, v20;
	vm3 =	veq.f32 v4, v20;
	v3 =	vsel vm1, $0xF, v0  }
0xbf: {  	vm1 =	veq.f32 v9, v20;
	v3 =	vsel vm3, $0xE, v3;
	v2 =	vmul.f32 $1.442695020e+00, v2  }
0xc0: {  	vm3 =	veq.f32 v8, v20;
	v3 =	vsel vm2, $0xD, v3;
	(erf) = vrcp.f32 v19  }
0xc1: {  	vm2 =	veq.f32 v15, v20;
	v3 =	vsel vm0, $0xC, v3;
	(erf) = vpow2.f32 v2  }
0xc2: {  	vm4 =	veq.f32 v11, v20;
	vm5 =	veq.f32 v14, v20;
	v2 =	vsel vm3, $0xB, v3  }
0xc3: {  	vm0 =	veq.f32 v10, v20;
	vm3 =	veq.f32 v6, v20;
	v2 =	vsel vm1, $0xA, v2  }
0xc4: {  	vm6 =	veq.f32 v13, v20;
	vm1 =	veq.f32 v16, v20;
	v2 =	vsel vm3, $0x9, v2  }
0xc5: {  	vm7 =	veq.f32 v12, v20;
	vm3 =	veq.f32 v17, v20;
	v2 =	vsel vm0, $0x8, v2  }
0xc6: {  	vm0 =	veq.f32 v18, v20;
	v2 =	vsel vm6, $0x7, v2  }
0xc7: {  	v5 =	vsel vm2, $0x6, v2  }
0xc8: {  	v5 =	vsel vm5, $0x5, v5  }
0xc9: {  	v3 =	vsel vm4, $0x4, v5;
	v2 =	vpop (erf)  }
0xca: {  	v3 =	vsel vm1, $0x3, v3;
	v4 =	vpop (erf)  }
0xcb: {  	v5 =	vsel vm7, $0x2, v3;
	v3 =	vmul.f32 v4, v2  }
0xcc: {  	v4 =	vsel vm3, $0x1, v5  }
0xcd: {  	v5 =	vadd.f32 v3, v2;
	_ =	sdelay $0x1  }
.Ltmp0:
0xce: {  	v5 =	vadd.f32 $9.999999740e-06, v5;
	(pc) =	sbr.rel @p0 .LBB2_2-.Ltmp0, $3  }
0xcf: {  	_ = 	snop  }
0xd0: {  	(erf) = vrcp.f32 v5;
	_ =	sdelay $0x1  }
0xd1: {  	s16 =	sadd.s32 $0x10, s16;
	s17 =	sadd.s32 $0x10, s17  }
0xd2: {  	_ =	sdelay $0x5  }
0xd3: {  	v5 =	vpop (erf)  }
0xd4: {  	v2 =	vmul.f32 v5, v2  }
0xd5: {  	v3 =	vmul.f32 v5, v3  }
0xd6: {  	[tilespmem:s19+$0x0] =	vst v2  }
0xd7: {  	[tilespmem:s24+$0x0] =	vst v3  }
0xd8: {  	v2 =	vsel vm0, $0x0, v4;
	[tilespmem:s21+$0x0] =	vst v1  }
0xd9: {  	[tilespmem:s22+$0x0] =	vst v2  }
0xda: {  	[hbm4b:s4+s2] =	stream.linear.scatter [tilespmem:s10], [sflag:$0x1], $0x200, $0x38;
	[tilespmem:$0x2800] =	vst v63  }
0xdb: {  	_ =	swait.ge [sflag:s9], $0x200  }
0xdc: {  	[sflag:s9] =	ssyncset.done $0x0  }
0xdd: {  	[sflag:s9] =	ssyncadd.s32 $0xFFFFFE00  }
0xde: {  	[hbm4b:s5+s2] =	stream.linear.scatter [tilespmem:s11], [sflag:$0x1], $0x200, $0x38;
	[tilespmem:$0x2800] =	vst v63  }
0xdf: {  	_ =	swait.ge [sflag:s9], $0x200  }
0xe0: {  	[sflag:s9] =	ssyncset.done $0x0  }
0xe1: {  	[sflag:s9] =	ssyncadd.s32 $0xFFFFFE00  }
0xe2: {  	[hbm4b:s6+s2] =	stream.linear.scatter [tilespmem:s12], [sflag:$0x1], $0x200, $0x38;
	[tilespmem:$0x2800] =	vst v63  }
0xe3: {  	s14 =	sadd.s32 $0x1, s14;
	_ =	swait.ge [sflag:s9], $0x200  }
0xe4: {  	p0 =	sne.s32 s14, s8;
	[sflag:s9] =	ssyncset.done $0x0  }
.Ltmp1:
0xe5: {  	[sflag:s9] =	ssyncadd.s32 $0xFFFFFE00;
	(pc) =	sbr.rel @p0 .LBB2_1-.Ltmp1, $4  }
0xe6: {  	[hbm4b:s7+s2] =	stream.linear.scatter [tilespmem:s13], [sflag:$0x1], $0x200, $0x38;
	[tilespmem:$0x2800] =	vst v63  }
0xe7: {  	_ =	swait.ge [sflag:s9], $0x200  }
0xe8: {  	[sflag:s9] =	ssyncset.done $0x0  }
0xe9: {  	[sflag:s9] =	ssyncadd.s32 $0xFFFFFE00  }
0xea: {  	_ =	sfence.sel $0x180000  }
0xeb: {  	[bflag:$0x0] =	sbarrier.arrive $0xFFFF  }
0xec: {  	p0 =	sne.s32 s1, $0x0;
	_ =	strace $0x90000047  }
0xed: {  	s0 =	sadd.s32 @!p0 $0x100000, s0;
	[bflag:$0x2] =	sbarrier.arrive $0xFFFF  }
0xee: {  	[sflag:s0] =	ssyncadd.tile.s32 @!p0 $0x1;
	_ =	shalt  }
.Lfunc_end2:
_tile_overlayer_lowered:
.L_overlay_start_2:
0xef: {  	(tag) =	ssettag $0x2  }
0xf0: {  	s0 =	rddreg [dreg:$0x0];
	s2 =	stileid.u32  }
0xf1: {  	s1 =	rddreg [dreg:$0x1];
	p0 =	sne.s32 s2, $0x0  }
0xf2: {  	s3 =	rddreg [dreg:$0x2];
	[bflag:$0x3] =	sbarrier.arrive $0xFFFF;
	s2 =	simm.s32 @!p0 $0x1C01  }
0xf3: {  	[timem:s3], [sflag:s2] =	dma.local @!p0 [hbm:s0], s1  }
0xf4: {  	s0 =	simm.s32 @!p0 $0x1  }
0xf5: {  	_ =	swait.ge @!p0 [sflag:s0], s1  }
0xf6: {  	s1 =	ssub.s32 @!p0 $0x0, s1;
	[sflag:s0] =	ssyncset.done @!p0 $0x0  }
0xf7: {  	[sflag:s0] =	ssyncadd.s32 @!p0 s1  }
0xf8: {  	[bflag:$0x3] =	sbarrier.arrive $0xFFFF  }
0xf9: {  	_ =	shalt  }

</sc_bundles>
